<compile_context>
chip_gen: v7x
topology: tpu7x:2x2x1
jax: 0.10.2.dev20260603
libtpu: 0.0.44.dev20260713+nightly
codegen_flags: <defaults>
</compile_context>

<pallas_src>
import functools

import jax
import jax.numpy as jnp
import numpy as np
from jax import lax
from jax.experimental import pallas as pl
from jax.experimental.pallas import tpu as pltpu
from jax.experimental.pallas import tpu_sc as plsc

_ANCHORS = np.array([[1.08, 1.19], [3.42, 4.41], [6.63, 11.38],
                     [9.42, 5.11], [16.62, 10.52]], dtype=np.float32)
_NC = 8
_NA = 5
_CH = 7 + _NC
_THR = 0.6
_B, _H, _W, _MO = 16, 64, 64, 20
_HW = _H * _W
_MOP = 24
_GW = 80
_PLANE = _NA * _CH * _HW


_NOBJ = _B * _MO
_TILES_G = _NOBJ // 16
_NCONF = _B * _NA
_CPT = 7


def _sc_body(out_hbm, txy_hbm, g_hbm, conf_hbm, xv, yv, idxv, rows,
             cbuf, sem):
    wid = lax.axis_index("s") * 2 + lax.axis_index("c")

    @pl.when(wid < _TILES_G)
    def _():
        lane = lax.iota(jnp.int32, 16)
        pltpu.sync_copy(txy_hbm.at[pl.ds(wid * 16, 16)], xv)
        pltpu.sync_copy(txy_hbm.at[pl.ds(_NOBJ + wid * 16, 16)], yv)
        pix = ((xv[:] * float(_H)).astype(jnp.int32) * _W
               + (yv[:] * float(_W)).astype(jnp.int32))
        g = wid * 16 + lane
        base = lax.div(g, _MO) * _PLANE + pix

        for c in range(_GW):
            if c < _NA * _CH:
                idxv[pl.ds(c * 16, 16)] = base + c * _HW
            else:
                idxv[pl.ds(c * 16, 16)] = jnp.zeros((16,), jnp.int32)

        copies = [
            pltpu.async_copy(out_hbm.at[idxv.at[pl.ds(i * 80, 80)]],
                             rows.at[pl.ds(i * 80, 80)], sem)
            for i in range(16)
        ]
        for cp in copies:
            cp.wait()

        pltpu.sync_copy(rows, g_hbm.at[pl.ds(wid * 16 * _GW, 16 * _GW)])

    @pl.when(wid >= _TILES_G)
    def _():
        for j in range(_CPT):
            p = jnp.minimum((wid - _TILES_G) * _CPT + j, _NCONF - 1)
            b = lax.div(p, _NA)
            k = lax.rem(p, _NA)
            src = b * _PLANE + (_CH * k + 6) * _HW
            pltpu.sync_copy(out_hbm.at[pl.ds(src, _HW)], cbuf)
            pltpu.sync_copy(cbuf, conf_hbm.at[pl.ds(p * _HW, _HW)])


@functools.cache
def _get_sc_gather():
    return pl.kernel(
        _sc_body,
        mesh=plsc.VectorSubcoreMesh(core_axis_name="c",
                                    subcore_axis_name="s"),
        out_type=[
            jax.ShapeDtypeStruct((_NOBJ * _GW,), jnp.float32),
            jax.ShapeDtypeStruct((_NCONF * _HW,), jnp.float32),
        ],
        scratch_types=[
            pltpu.VMEM((16,), jnp.float32),
            pltpu.VMEM((16,), jnp.float32),
            pltpu.VMEM((16 * _GW,), jnp.int32),
            pltpu.VMEM((16 * _GW,), jnp.float32),
            pltpu.VMEM((_HW,), jnp.float32),
            pltpu.SemaphoreType.DMA,
        ],
    )


def _tc_body(conf_ref, g_ref, tgt_ref, loss_ref):
    conf = conf_ref[:, :]
    pconf = jax.nn.sigmoid(conf)
    dense = jnp.sum(jnp.minimum(-jnp.log(1.0 - pconf), 100.0))

    tg = tgt_ref[:, :, :]
    if True:
        loss_ref[:, :] = jnp.full((1, 1), dense + jnp.sum(tg)
                                  + jnp.sum(g_ref[:, :, :]), jnp.float32)
        return

    def gch(k, c):
        return g_ref[:, :, _CH * k + c]

    cls = tg[:, :, 0]
    notf = jnp.where(cls == 0.0, 1.0, 0.0)
    row_i = jax.lax.broadcasted_iota(jnp.int32, (_MO, _MO), 0)
    col_j = jax.lax.broadcasted_iota(jnp.int32, (_MO, _MO), 1)
    lower = col_j <= row_i
    bad3 = jnp.where(lower[None], notf[:, None, :], 0.0)
    active = jnp.max(bad3, axis=2) == 0.0

    gt_x = tg[:, :, 1] * float(_H)
    gt_y = tg[:, :, 2] * float(_W)
    gt_l = tg[:, :, 3] * float(_H)
    gt_w = tg[:, :, 4] * float(_W)
    gim = tg[:, :, 5]
    gre = tg[:, :, 6]

    k5 = jax.lax.broadcasted_iota(jnp.int32, (1, 1, _NA), 2)
    bl = jnp.zeros((1, 1, _NA), jnp.float32)
    bw = jnp.zeros((1, 1, _NA), jnp.float32)
    for a_i in range(_NA):
        bl = jnp.where(k5 == a_i, float(_ANCHORS[a_i, 0]), bl)
        bw = jnp.where(k5 == a_i, float(_ANCHORS[a_i, 1]), bw)
    gl3 = gt_l[:, :, None]
    gw3 = gt_w[:, :, None]
    min_x = jnp.minimum(0.0 - gl3 / 2.0, 0.0 - bl / 2.0)
    max_x = jnp.maximum(0.0 + gl3 / 2.0, 0.0 + bl / 2.0)
    min_y = jnp.minimum(0.0 - gw3 / 2.0, 0.0 - bw / 2.0)
    max_y = jnp.maximum(0.0 + gw3 / 2.0, 0.0 + bw / 2.0)
    union_w = max_y - min_y
    union_h = max_x - min_x
    inter_w = gw3 + bw - union_w
    inter_l = gl3 + bl - union_h
    badi = (inter_w <= 0) | (inter_l <= 0)
    inter_areas = jnp.where(badi, 0.0, inter_w * inter_l)
    union_areas = gw3 * gl3 + bw * bl - inter_areas
    ious = inter_areas / union_areas

    iou_max = jnp.max(ious, axis=2, keepdims=True)
    kidx = jax.lax.broadcasted_iota(jnp.int32, (_B, _MO, _NA), 2)
    a = jnp.min(jnp.where(ious == iou_max, kidx, 99), axis=2)

    ax = gt_x.astype(jnp.int32)
    ay = gt_y.astype(jnp.int32)
    fx = gt_x - ax.astype(jnp.float32)
    fy = gt_y - ay.astype(jnp.float32)

    al_sel = jnp.zeros((_B, _MO), jnp.float32)
    aw_sel = jnp.zeros((_B, _MO), jnp.float32)
    for a_i in range(_NA):
        mk = a == a_i
        al_sel = jnp.where(mk, float(_ANCHORS[a_i, 0]), al_sel)
        aw_sel = jnp.where(mk, float(_ANCHORS[a_i, 1]), aw_sel)
    safe_gl = jnp.where(active, gt_l, 1.0)
    safe_gw = jnp.where(active, gt_w, 1.0)
    tl = jnp.log(safe_gl / al_sel)
    tw = jnp.log(safe_gw / aw_sel)

    act2 = active[:, :, None] & active[:, None, :]
    same_col = ((ax[:, :, None] == ax[:, None, :])
                & (ay[:, :, None] == ay[:, None, :]) & act2)
    same_cell = same_col & (a[:, :, None] == a[:, None, :])
    jgt = (col_j > row_i)[None]
    last_cell = active & ~jnp.any(same_cell & jgt, axis=2)
    last_col = active & ~jnp.any(same_col & jgt, axis=2)
    cnt_t = jnp.sum(last_cell.astype(jnp.float32))

    cls_id = cls.astype(jnp.int32)
    label = jnp.min(jnp.where(same_cell, cls_id[:, None, :], 9999),
                    axis=2)

    def asel(c):
        v = jnp.zeros((_B, _MO), jnp.float32)
        for a_i in range(_NA):
            v = jnp.where(a == a_i, gch(a_i, c), v)
        return v

    o_x = jax.nn.sigmoid(asel(0))
    o_y = jax.nn.sigmoid(asel(1))
    o_l = asel(2)
    o_w = asel(3)
    o_im = asel(4)
    o_re = asel(5)
    conf_p = jax.nn.sigmoid(asel(6))

    sq = ((o_x - fx) ** 2 + (o_y - fy) ** 2 + (o_l - tl) ** 2
          + (o_w - tw) ** 2 + (o_im - gim) ** 2 + (o_re - gre) ** 2)
    conf_true = -jnp.maximum(jnp.log(conf_p), -100.0)
    num_t = jnp.sum(jnp.where(last_cell, sq + conf_true, 0.0))

    cls_logit = jnp.stack([asel(7 + c) for c in range(_NC)], axis=2)
    pc = jax.nn.sigmoid(cls_logit)
    mx = jnp.max(pc, axis=2, keepdims=True)
    sh = pc - mx
    logp = sh - jnp.log(jnp.sum(jnp.exp(sh), axis=2, keepdims=True))
    cidx = jax.lax.broadcasted_iota(jnp.int32, (_B, _MO, _NC), 2)
    picked = jnp.sum(jnp.where(cidx == label[:, :, None], logp, 0.0),
                     axis=2)
    num_cls = jnp.sum(jnp.where(last_cell, -picked, 0.0))

    corr_conf = jnp.float32(0.0)
    corr_cnt = jnp.float32(0.0)
    for a_i in range(_NA):
        a_eq = a == a_i
        hi = ious[:, :, a_i] > _THR
        evt = a_eq | hi
        exists = same_col & evt[:, None, :]
        jl = jnp.max(jnp.where(exists, col_j[None], -1), axis=2)
        lastsel = exists & (col_j[None] == jl[:, :, None])
        cm = (jnp.sum(jnp.where(lastsel,
                                a_eq.astype(jnp.float32)[:, None, :],
                                0.0), axis=2)
              + (jl < 0).astype(jnp.float32))
        tm = jnp.any(same_col & a_eq[:, None, :],
                     axis=2).astype(jnp.float32)
        fm = cm - tm
        x = gch(a_i, 6)
        px = jax.nn.sigmoid(x)
        lp = jnp.maximum(jnp.log(px), -100.0)
        l1p = jnp.maximum(jnp.log(1.0 - px), -100.0)
        assumed = -l1p
        actual = fm * (-(tm * lp + (1.0 - tm) * l1p))
        corr_conf += jnp.sum(jnp.where(last_col, actual - assumed, 0.0))
        corr_cnt += jnp.sum(jnp.where(last_col, fm - 1.0, 0.0))

    cnt_f = float(_B * _NA * _HW) + corr_cnt
    dense_num = dense + corr_conf

    loss = (num_t / cnt_t + dense_num / cnt_f
            + num_cls / (float(_B) * cnt_t))
    loss_ref[:, :] = jnp.full((1, 1), loss, jnp.float32)


def kernel(output, targets):
    flat = output.reshape(-1)
    txy = targets[:, :, 1:3].transpose(2, 0, 1).reshape(-1)
    gt, confc = _get_sc_gather()(flat, txy)
    G = gt.reshape(_TILES_G, _GW, 16).transpose(0, 2, 1)
    loss = pl.pallas_call(
        _tc_body,
        grid=(1,),
        in_specs=[
            pl.BlockSpec((_NCONF * _HW // 128, 128), lambda i: (0, 0)),
            pl.BlockSpec((_B, _MO, _GW), lambda i: (0, 0, 0)),
            pl.BlockSpec((_B, _MO, 7), lambda i: (0, 0, 0)),
        ],
        out_specs=pl.BlockSpec((1, 1), lambda i: (0, 0)),
        out_shape=jax.ShapeDtypeStruct((1, 1), jnp.float32),
    )(confc.reshape(_NCONF * _HW // 128, 128),
      G.reshape(_B, _MO, _GW), targets)
    return loss[0, 0]

# --- scband reference (transcript-rebuilt; emitter-appended) ---
"""Pipeline reference for scband-region-loss-6339371729027 (READ-ONLY COPY).

The authoritative reference and input builder live on the scoring server;
editing this copy changes nothing except your own understanding.
"""

import jax, jax.numpy as jnp
import numpy as np
import math

ANCHORS = np.array([[1.08, 1.19], [3.42, 4.41], [6.63, 11.38], [9.42, 5.11], [16.62, 10.52]], dtype=np.float32)
N_CLASSES = 8
IGNORE_THRESHOLD = 0.6
B, H, W, MAX_OBJ = 16, 64, 64, 20
N_ANCHORS = ANCHORS.shape[0]


def get_ious(gt_l, gt_w, anchors):
    bl = anchors[:, 0][None, :]
    bw = anchors[:, 1][None, :]
    gl = gt_l[:, None]
    gw = gt_w[:, None]
    min_x = jnp.minimum(0.0 - gl / 2.0, 0.0 - bl / 2.0)
    max_x = jnp.maximum(0.0 + gl / 2.0, 0.0 + bl / 2.0)
    min_y = jnp.minimum(0.0 - gw / 2.0, 0.0 - bw / 2.0)
    max_y = jnp.maximum(0.0 + gw / 2.0, 0.0 + bw / 2.0)
    union_w = max_y - min_y
    union_h = max_x - min_x
    inter_w = gw + bw - union_w
    inter_l = gl + bl - union_h
    bad = (inter_w <= 0) | (inter_l <= 0)
    inter_areas = jnp.where(bad, 0.0, inter_w * inter_l)
    union_areas = gw * gl + bw * bl - inter_areas
    return inter_areas / union_areas


def build_targets(targets, Hn, Wn):
    Bn = targets.shape[0]
    n_anchors = N_ANCHORS
    anchors = jnp.asarray(ANCHORS)
    mask = jnp.zeros((Bn, n_anchors, Hn, Wn), jnp.float32)
    conf_mask = jnp.ones((Bn, n_anchors, Hn, Wn), jnp.float32)
    ts = jnp.zeros((Bn, n_anchors, Hn, Wn, 7 + N_CLASSES), jnp.float32)
    bidx = jnp.arange(Bn)
    aidx = jnp.arange(n_anchors)
    active = jnp.ones((Bn,), dtype=bool)
    for o in range(targets.shape[1]):
        cls = targets[:, o, 0]
        active = active & (cls != 0)
        v = active
        gt_x = targets[:, o, 1] * Hn
        gt_y = targets[:, o, 2] * Wn
        gt_l = targets[:, o, 3] * Hn
        gt_w = targets[:, o, 4] * Wn
        gt_im = targets[:, o, 5]
        gt_re = targets[:, o, 6]
        ious = get_ious(gt_l, gt_w, anchors)
        a = jnp.argmax(ious, axis=1)
        ax = gt_x.astype(jnp.int32)
        ay = gt_y.astype(jnp.int32)
        cls_id = cls.astype(jnp.int32)
        cur = ts[bidx, a, ax, ay]
        first7 = jnp.stack([
            gt_x - ax.astype(jnp.float32),
            gt_y - ay.astype(jnp.float32),
            jnp.log(gt_l / anchors[a, 0]),
            jnp.log(gt_w / anchors[a, 1]),
            gt_im,
            gt_re,
            jnp.ones_like(gt_x),
        ], axis=1)
        onehot = jax.nn.one_hot(cls_id, N_CLASSES, dtype=jnp.float32)
        new_cls = jnp.maximum(cur[:, 7:], onehot)
        newrow = jnp.concatenate([first7, new_cls], axis=1)
        newrow = jnp.where(v[:, None], newrow, cur)
        ts = ts.at[bidx, a, ax, ay].set(newrow)
        curc = conf_mask[bidx, :, ax, ay]
        newc = jnp.where(ious > IGNORE_THRESHOLD, 0.0, curc)
        newc = jnp.where(aidx[None, :] == a[:, None], 1.0, newc)
        newc = jnp.where(v[:, None], newc, curc)
        conf_mask = conf_mask.at[bidx, :, ax, ay].set(newc)
        curm = mask[bidx, a, ax, ay]
        mask = mask.at[bidx, a, ax, ay].set(jnp.where(v, 1.0, curm))
    false_mask = conf_mask - mask
    return ts, mask, false_mask


def setup_inputs(seed: int = 0) -> dict:
    key = jax.random.key(seed)
    k1, k2, k3, k4, k5, k6 = jax.random.split(key, 6)
    output = jax.random.normal(k1, (B, N_ANCHORS * (7 + N_CLASSES), H, W), dtype=jnp.float32)
    cls = jax.random.randint(k2, (B, MAX_OBJ, 1), 1, N_CLASSES).astype(jnp.float32)
    xy = jax.random.uniform(k3, (B, MAX_OBJ, 2), minval=0.05, maxval=0.95)
    lw = jax.random.uniform(k4, (B, MAX_OBJ, 2), minval=0.05, maxval=0.4)
    imre = jax.random.normal(k5, (B, MAX_OBJ, 2)) * 0.5
    targets = jnp.concatenate([cls, xy, lw, imre], axis=-1).astype(jnp.float32)
    n_obj = jax.random.randint(k6, (B,), 3, MAX_OBJ + 1)
    valid = (jnp.arange(MAX_OBJ)[None, :] < n_obj[:, None]).astype(jnp.float32)
    targets = targets * valid[:, :, None]
    return {"output": output, "targets": targets}


def _loss(output, ts, tmask, fmask):
    Bn = output.shape[0]; Hn = output.shape[2]; Wn = output.shape[3]
    na = N_ANCHORS
    out = output.reshape(Bn, na, 7 + N_CLASSES, Hn, Wn).transpose(0, 1, 3, 4, 2)
    o_x = jax.nn.sigmoid(out[..., 0])
    o_y = jax.nn.sigmoid(out[..., 1])
    o_l = out[..., 2]
    o_w = out[..., 3]
    o_im = out[..., 4]
    o_re = out[..., 5]
    o_conf = jax.nn.sigmoid(out[..., 6])
    o_cls = jax.nn.sigmoid(out[..., 7:])
    cnt_t = jnp.sum(tmask)
    cnt_f = jnp.sum(fmask)
    mse = lambda a, b: jnp.sum(tmask * (a - b) ** 2) / cnt_t
    def bce(p, t, m, c):
        lp = jnp.maximum(jnp.log(p), -100.0)
        l1p = jnp.maximum(jnp.log(1.0 - p), -100.0)
        return jnp.sum(m * (-(t * lp + (1.0 - t) * l1p))) / c
    loss_x = mse(o_x, ts[..., 0])
    loss_y = mse(o_y, ts[..., 1])
    loss_l = mse(o_l, ts[..., 2])
    loss_w = mse(o_w, ts[..., 3])
    loss_im = mse(o_im, ts[..., 4])
    loss_re = mse(o_re, ts[..., 5])
    loss_conf = bce(o_conf, ts[..., 6], fmask, cnt_f) + bce(o_conf, ts[..., 6], tmask, cnt_t)
    labels = jnp.argmax(ts[..., 7:], axis=-1)
    logp = jax.nn.log_softmax(o_cls, axis=-1)
    picked = jnp.take_along_axis(logp, labels[..., None], axis=-1)[..., 0]
    loss_cls = (1.0 / Bn) * (jnp.sum(tmask * (-picked)) / cnt_t)
    return loss_x + loss_y + loss_w + loss_l + loss_im + loss_re + loss_conf + loss_cls


def reference(output, targets):
    Hn = output.shape[2]; Wn = output.shape[3]
    ts, tmask, fmask = build_targets(targets, Hn, Wn)
    return _loss(output, ts, tmask, fmask)

if __name__ == "__main__":
    import jax
    _d = setup_inputs()
    print(jax.jit(kernel)(*tuple(_d.values())))

</pallas_src>

<mosaic_0001>
#map = affine_map<(d0, d1) -> (0)>
module attributes {stable_mosaic.version = 14 : i64} {
  func.func @_sc_body(%arg0: i32, %arg1: i32, %arg2: memref<4915200xf32, #tpu.memory_space<hbm>>, %arg3: memref<640xf32, #tpu.memory_space<hbm>>, %arg4: memref<25600xf32, #tpu.memory_space<hbm>>, %arg5: memref<327680xf32, #tpu.memory_space<hbm>>, %arg6: memref<16xf32, #tpu.memory_space<vmem>>, %arg7: memref<16xf32, #tpu.memory_space<vmem>>, %arg8: memref<1280xi32, #tpu.memory_space<vmem>>, %arg9: memref<1280xf32, #tpu.memory_space<vmem>>, %arg10: memref<4096xf32, #tpu.memory_space<vmem>>, %arg11: memref<!tpu.dma_semaphore, #tpu.memory_space<semaphore_mem>>) attributes {dimension_semantics = [#tpu.dimension_semantics<core_parallel>, #tpu.dimension_semantics<subcore_parallel>], iteration_bounds = array<i64: 2, 16>, scalar_prefetch = 0 : i64, scratch_operands = 6 : i64, tpu.core_type = #tpu.core_type<sc_vector_subcore>, window_params = [{transform_indices = #map}, {transform_indices = #map}, {transform_indices = #map}, {transform_indices = #map}]} {
    %mul3A = arith.constant 2 : i32
    %mul3A_0 = arith.muli %arg1, %mul3A : i32
    %add3A = arith.addi %mul3A_0, %arg0 : i32
    %lt3A = arith.constant 20 : i32
    %lt3A_1 = arith.cmpi slt, %add3A, %lt3A : i32
    %convert_element_type3A = arith.extui %lt3A_1 : i1 to i32
    %cond3A = arith.constant 0 : i32
    %cond3A_2 = arith.cmpi ne, %convert_element_type3A, %cond3A : i32
    scf.if %cond3A_2 {
      %iota3A = tpu.iota {dimensions = array<i32: 0>} : vector<16xi32>
      %mul3A_7 = arith.constant 16 : i32
      %mul3A_8 = arith.muli %add3A, %mul3A_7 : i32
      "tpu.region"() ({
        %run_scoped3A = tpu.sem_alloc : memref<!tpu.dma_semaphore, #tpu.memory_space<semaphore_mem>>
        %dma_start3A_787 = tpu.memref_slice %arg3[%mul3A_8] : memref<640xf32, #tpu.memory_space<hbm>> -> memref<16xf32, #tpu.memory_space<hbm>>
        %dma_start3A_788 = tpu.memref_slice %arg3[%mul3A_8] : memref<640xf32, #tpu.memory_space<hbm>> -> memref<16xf32, #tpu.memory_space<hbm>>
        tpu.enqueue_dma source(%dma_start3A_788 : memref<16xf32, #tpu.memory_space<hbm>>) target(%arg6 : memref<16xf32, #tpu.memory_space<vmem>>) target_semaphore(%run_scoped3A : memref<!tpu.dma_semaphore, #tpu.memory_space<semaphore_mem>>)
        %dma_wait3A_789 = tpu.memref_slice %arg3[%mul3A_8] : memref<640xf32, #tpu.memory_space<hbm>> -> memref<16xf32, #tpu.memory_space<hbm>>
        %dma_wait3A_790 = tpu.memref_slice %arg3[%mul3A_8] : memref<640xf32, #tpu.memory_space<hbm>> -> memref<16xf32, #tpu.memory_space<hbm>>
        tpu.wait_dma2 semaphore(%run_scoped3A : memref<!tpu.dma_semaphore, #tpu.memory_space<semaphore_mem>>) src(%dma_wait3A_790 : memref<16xf32, #tpu.memory_space<hbm>>) dst(%arg6 : memref<16xf32, #tpu.memory_space<vmem>>)
        tpu.yield
      }) : () -> ()
      %mul3A_9 = arith.constant 16 : i32
      %mul3A_10 = arith.muli %add3A, %mul3A_9 : i32
      %add3A_11 = arith.constant 320 : i32
      %add3A_12 = arith.addi %add3A_11, %mul3A_10 : i32
      "tpu.region"() ({
        %run_scoped3A = tpu.sem_alloc : memref<!tpu.dma_semaphore, #tpu.memory_space<semaphore_mem>>
        %dma_start3A_787 = tpu.memref_slice %arg3[%add3A_12] : memref<640xf32, #tpu.memory_space<hbm>> -> memref<16xf32, #tpu.memory_space<hbm>>
        %dma_start3A_788 = tpu.memref_slice %arg3[%add3A_12] : memref<640xf32, #tpu.memory_space<hbm>> -> memref<16xf32, #tpu.memory_space<hbm>>
        tpu.enqueue_dma source(%dma_start3A_788 : memref<16xf32, #tpu.memory_space<hbm>>) target(%arg7 : memref<16xf32, #tpu.memory_space<vmem>>) target_semaphore(%run_scoped3A : memref<!tpu.dma_semaphore, #tpu.memory_space<semaphore_mem>>)
        %dma_wait3A_789 = tpu.memref_slice %arg3[%add3A_12] : memref<640xf32, #tpu.memory_space<hbm>> -> memref<16xf32, #tpu.memory_space<hbm>>
        %dma_wait3A_790 = tpu.memref_slice %arg3[%add3A_12] : memref<640xf32, #tpu.memory_space<hbm>> -> memref<16xf32, #tpu.memory_space<hbm>>
        tpu.wait_dma2 semaphore(%run_scoped3A : memref<!tpu.dma_semaphore, #tpu.memory_space<semaphore_mem>>) src(%dma_wait3A_790 : memref<16xf32, #tpu.memory_space<hbm>>) dst(%arg7 : memref<16xf32, #tpu.memory_space<vmem>>)
        tpu.yield
      }) : () -> ()
      %get3A = arith.constant 0 : index
      %get3A_13 = tpu.vector_load %arg6[%get3A] {strides = array<i32>} : memref<16xf32, #tpu.memory_space<vmem>>, vector<16xf32>,
      %get3A_14 = vector.shape_cast %get3A_13 : vector<16xf32> to vector<16xf32>
      %mul3A_15 = arith.constant 6.400000e+01 : f32
      %mul3A_16 = vector.broadcast %mul3A_15 : f32 to vector<16xf32>
      %mul3A_17 = arith.mulf %get3A_14, %mul3A_16 : vector<16xf32>
      %convert_element_type3A_18 = arith.fptosi %mul3A_17 : vector<16xf32> to vector<16xi32>
      %mul3A_19 = arith.constant 64 : i32
      %mul3A_20 = vector.broadcast %mul3A_19 : i32 to vector<16xi32>
      %mul3A_21 = arith.muli %convert_element_type3A_18, %mul3A_20 : vector<16xi32>
      %get3A_22 = arith.constant 0 : index
      %get3A_23 = tpu.vector_load %arg7[%get3A_22] {strides = array<i32>} : memref<16xf32, #tpu.memory_space<vmem>>, vector<16xf32>,
      %get3A_24 = vector.shape_cast %get3A_23 : vector<16xf32> to vector<16xf32>
      %mul3A_25 = arith.constant 6.400000e+01 : f32
      %mul3A_26 = vector.broadcast %mul3A_25 : f32 to vector<16xf32>
      %mul3A_27 = arith.mulf %get3A_24, %mul3A_26 : vector<16xf32>
      %convert_element_type3A_28 = arith.fptosi %mul3A_27 : vector<16xf32> to vector<16xi32>
      %add3A_29 = arith.addi %mul3A_21, %convert_element_type3A_28 : vector<16xi32>
      %mul3A_30 = arith.constant 16 : i32
      %mul3A_31 = arith.muli %add3A, %mul3A_30 : i32
      %add3A_32 = vector.broadcast %mul3A_31 : i32 to vector<16xi32>
      %add3A_33 = arith.addi %add3A_32, %iota3A : vector<16xi32>
      %div3A = arith.constant 20 : i32
      %div3A_34 = vector.broadcast %div3A : i32 to vector<16xi32>
      %div3A_35 = arith.divsi %add3A_33, %div3A_34 : vector<16xi32>
      %mul3A_36 = arith.constant 307200 : i32
      %mul3A_37 = vector.broadcast %mul3A_36 : i32 to vector<16xi32>
      %mul3A_38 = arith.muli %div3A_35, %mul3A_37 : vector<16xi32>
      %add3A_39 = arith.addi %mul3A_38, %add3A_29 : vector<16xi32>
      %add3A_40 = arith.constant 0 : i32
      %add3A_41 = vector.broadcast %add3A_40 : i32 to vector<16xi32>
      %add3A_42 = arith.addi %add3A_39, %add3A_41 : vector<16xi32>
      %swap3A = arith.constant 0 : index
      %swap3A_43 = tpu.vector_load %arg8[%swap3A] {strides = array<i32>} : memref<1280xi32, #tpu.memory_space<vmem>>, vector<16xi32>,
      %swap3A_44 = vector.shape_cast %swap3A_43 : vector<16xi32> to vector<16xi32>
      %swap3A_45 = vector.shape_cast %add3A_42 : vector<16xi32> to vector<16xi32>
      tpu.vector_store %arg8[%swap3A], %swap3A_45 {strides = array<i32>} : memref<1280xi32, #tpu.memory_space<vmem>>, vector<16xi32>,
      %add3A_46 = arith.constant 4096 : i32
      %add3A_47 = vector.broadcast %add3A_46 : i32 to vector<16xi32>
      %add3A_48 = arith.addi %add3A_39, %add3A_47 : vector<16xi32>
      %swap3A_49 = arith.constant 16 : index
      %swap3A_50 = tpu.vector_load %arg8[%swap3A_49] {strides = array<i32>} : memref<1280xi32, #tpu.memory_space<vmem>>, vector<16xi32>,
      %swap3A_51 = vector.shape_cast %swap3A_50 : vector<16xi32> to vector<16xi32>
      %swap3A_52 = vector.shape_cast %add3A_48 : vector<16xi32> to vector<16xi32>
      tpu.vector_store %arg8[%swap3A_49], %swap3A_52 {strides = array<i32>} : memref<1280xi32, #tpu.memory_space<vmem>>, vector<16xi32>,
      %add3A_53 = arith.constant 8192 : i32
      %add3A_54 = vector.broadcast %add3A_53 : i32 to vector<16xi32>
      %add3A_55 = arith.addi %add3A_39, %add3A_54 : vector<16xi32>
      %swap3A_56 = arith.constant 32 : index
      %swap3A_57 = tpu.vector_load %arg8[%swap3A_56] {strides = array<i32>} : memref<1280xi32, #tpu.memory_space<vmem>>, vector<16xi32>,
      %swap3A_58 = vector.shape_cast %swap3A_57 : vector<16xi32> to vector<16xi32>
      %swap3A_59 = vector.shape_cast %add3A_55 : vector<16xi32> to vector<16xi32>
      tpu.vector_store %arg8[%swap3A_56], %swap3A_59 {strides = array<i32>} : memref<1280xi32, #tpu.memory_space<vmem>>, vector<16xi32>,
      %add3A_60 = arith.constant 12288 : i32
      %add3A_61 = vector.broadcast %add3A_60 : i32 to vector<16xi32>
      %add3A_62 = arith.addi %add3A_39, %add3A_61 : vector<16xi32>
      %swap3A_63 = arith.constant 48 : index
      %swap3A_64 = tpu.vector_load %arg8[%swap3A_63] {strides = array<i32>} : memref<1280xi32, #tpu.memory_space<vmem>>, vector<16xi32>,
      %swap3A_65 = vector.shape_cast %swap3A_64 : vector<16xi32> to vector<16xi32>
      %swap3A_66 = vector.shape_cast %add3A_62 : vector<16xi32> to vector<16xi32>
      tpu.vector_store %arg8[%swap3A_63], %swap3A_66 {strides = array<i32>} : memref<1280xi32, #tpu.memory_space<vmem>>, vector<16xi32>,
      %add3A_67 = arith.constant 16384 : i32
      %add3A_68 = vector.broadcast %add3A_67 : i32 to vector<16xi32>
      %add3A_69 = arith.addi %add3A_39, %add3A_68 : vector<16xi32>
      %swap3A_70 = arith.constant 64 : index
      %swap3A_71 = tpu.vector_load %arg8[%swap3A_70] {strides = array<i32>} : memref<1280xi32, #tpu.memory_space<vmem>>, vector<16xi32>,
      %swap3A_72 = vector.shape_cast %swap3A_71 : vector<16xi32> to vector<16xi32>
      %swap3A_73 = vector.shape_cast %add3A_69 : vector<16xi32> to vector<16xi32>
      tpu.vector_store %arg8[%swap3A_70], %swap3A_73 {strides = array<i32>} : memref<1280xi32, #tpu.memory_space<vmem>>, vector<16xi32>,
      %add3A_74 = arith.constant 20480 : i32
      %add3A_75 = vector.broadcast %add3A_74 : i32 to vector<16xi32>
      %add3A_76 = arith.addi %add3A_39, %add3A_75 : vector<16xi32>
      %swap3A_77 = arith.constant 80 : index
      %swap3A_78 = tpu.vector_load %arg8[%swap3A_77] {strides = array<i32>} : memref<1280xi32, #tpu.memory_space<vmem>>, vector<16xi32>,
      %swap3A_79 = vector.shape_cast %swap3A_78 : vector<16xi32> to vector<16xi32>
      %swap3A_80 = vector.shape_cast %add3A_76 : vector<16xi32> to vector<16xi32>
      tpu.vector_store %arg8[%swap3A_77], %swap3A_80 {strides = array<i32>} : memref<1280xi32, #tpu.memory_space<vmem>>, vector<16xi32>,
      %add3A_81 = arith.constant 24576 : i32
      %add3A_82 = vector.broadcast %add3A_81 : i32 to vector<16xi32>
      %add3A_83 = arith.addi %add3A_39, %add3A_82 : vector<16xi32>
      %swap3A_84 = arith.constant 96 : index
      %swap3A_85 = tpu.vector_load %arg8[%swap3A_84] {strides = array<i32>} : memref<1280xi32, #tpu.memory_space<vmem>>, vector<16xi32>,
      %swap3A_86 = vector.shape_cast %swap3A_85 : vector<16xi32> to vector<16xi32>
      %swap3A_87 = vector.shape_cast %add3A_83 : vector<16xi32> to vector<16xi32>
      tpu.vector_store %arg8[%swap3A_84], %swap3A_87 {strides = array<i32>} : memref<1280xi32, #tpu.memory_space<vmem>>, vector<16xi32>,
      %add3A_88 = arith.constant 28672 : i32
      %add3A_89 = vector.broadcast %add3A_88 : i32 to vector<16xi32>
      %add3A_90 = arith.addi %add3A_39, %add3A_89 : vector<16xi32>
      %swap3A_91 = arith.constant 112 : index
      %swap3A_92 = tpu.vector_load %arg8[%swap3A_91] {strides = array<i32>} : memref<1280xi32, #tpu.memory_space<vmem>>, vector<16xi32>,
      %swap3A_93 = vector.shape_cast %swap3A_92 : vector<16xi32> to vector<16xi32>
      %swap3A_94 = vector.shape_cast %add3A_90 : vector<16xi32> to vector<16xi32>
      tpu.vector_store %arg8[%swap3A_91], %swap3A_94 {strides = array<i32>} : memref<1280xi32, #tpu.memory_space<vmem>>, vector<16xi32>,
      %add3A_95 = arith.constant 32768 : i32
      %add3A_96 = vector.broadcast %add3A_95 : i32 to vector<16xi32>
      %add3A_97 = arith.addi %add3A_39, %add3A_96 : vector<16xi32>
      %swap3A_98 = arith.constant 128 : index
      %swap3A_99 = tpu.vector_load %arg8[%swap3A_98] {strides = array<i32>} : memref<1280xi32, #tpu.memory_space<vmem>>, vector<16xi32>,
      %swap3A_100 = vector.shape_cast %swap3A_99 : vector<16xi32> to vector<16xi32>
      %swap3A_101 = vector.shape_cast %add3A_97 : vector<16xi32> to vector<16xi32>
      tpu.vector_store %arg8[%swap3A_98], %swap3A_101 {strides = array<i32>} : memref<1280xi32, #tpu.memory_space<vmem>>, vector<16xi32>,
      %add3A_102 = arith.constant 36864 : i32
      %add3A_103 = vector.broadcast %add3A_102 : i32 to vector<16xi32>
      %add3A_104 = arith.addi %add3A_39, %add3A_103 : vector<16xi32>
      %swap3A_105 = arith.constant 144 : index
      %swap3A_106 = tpu.vector_load %arg8[%swap3A_105] {strides = array<i32>} : memref<1280xi32, #tpu.memory_space<vmem>>, vector<16xi32>,
      %swap3A_107 = vector.shape_cast %swap3A_106 : vector<16xi32> to vector<16xi32>
      %swap3A_108 = vector.shape_cast %add3A_104 : vector<16xi32> to vector<16xi32>
      tpu.vector_store %arg8[%swap3A_105], %swap3A_108 {strides = array<i32>} : memref<1280xi32, #tpu.memory_space<vmem>>, vector<16xi32>,
      %add3A_109 = arith.constant 40960 : i32
      %add3A_110 = vector.broadcast %add3A_109 : i32 to vector<16xi32>
      %add3A_111 = arith.addi %add3A_39, %add3A_110 : vector<16xi32>
      %swap3A_112 = arith.constant 160 : index
      %swap3A_113 = tpu.vector_load %arg8[%swap3A_112] {strides = array<i32>} : memref<1280xi32, #tpu.memory_space<vmem>>, vector<16xi32>,
      %swap3A_114 = vector.shape_cast %swap3A_113 : vector<16xi32> to vector<16xi32>
      %swap3A_115 = vector.shape_cast %add3A_111 : vector<16xi32> to vector<16xi32>
      tpu.vector_store %arg8[%swap3A_112], %swap3A_115 {strides = array<i32>} : memref<1280xi32, #tpu.memory_space<vmem>>, vector<16xi32>,
      %add3A_116 = arith.constant 45056 : i32
      %add3A_117 = vector.broadcast %add3A_116 : i32 to vector<16xi32>
      %add3A_118 = arith.addi %add3A_39, %add3A_117 : vector<16xi32>
      %swap3A_119 = arith.constant 176 : index
      %swap3A_120 = tpu.vector_load %arg8[%swap3A_119] {strides = array<i32>} : memref<1280xi32, #tpu.memory_space<vmem>>, vector<16xi32>,
      %swap3A_121 = vector.shape_cast %swap3A_120 : vector<16xi32> to vector<16xi32>
      %swap3A_122 = vector.shape_cast %add3A_118 : vector<16xi32> to vector<16xi32>
      tpu.vector_store %arg8[%swap3A_119], %swap3A_122 {strides = array<i32>} : memref<1280xi32, #tpu.memory_space<vmem>>, vector<16xi32>,
      %add3A_123 = arith.constant 49152 : i32
      %add3A_124 = vector.broadcast %add3A_123 : i32 to vector<16xi32>
      %add3A_125 = arith.addi %add3A_39, %add3A_124 : vector<16xi32>
      %swap3A_126 = arith.constant 192 : index
      %swap3A_127 = tpu.vector_load %arg8[%swap3A_126] {strides = array<i32>} : memref<1280xi32, #tpu.memory_space<vmem>>, vector<16xi32>,
      %swap3A_128 = vector.shape_cast %swap3A_127 : vector<16xi32> to vector<16xi32>
      %swap3A_129 = vector.shape_cast %add3A_125 : vector<16xi32> to vector<16xi32>
      tpu.vector_store %arg8[%swap3A_126], %swap3A_129 {strides = array<i32>} : memref<1280xi32, #tpu.memory_space<vmem>>, vector<16xi32>,
      %add3A_130 = arith.constant 53248 : i32
      %add3A_131 = vector.broadcast %add3A_130 : i32 to vector<16xi32>
      %add3A_132 = arith.addi %add3A_39, %add3A_131 : vector<16xi32>
      %swap3A_133 = arith.constant 208 : index
      %swap3A_134 = tpu.vector_load %arg8[%swap3A_133] {strides = array<i32>} : memref<1280xi32, #tpu.memory_space<vmem>>, vector<16xi32>,
      %swap3A_135 = vector.shape_cast %swap3A_134 : vector<16xi32> to vector<16xi32>
      %swap3A_136 = vector.shape_cast %add3A_132 : vector<16xi32> to vector<16xi32>
      tpu.vector_store %arg8[%swap3A_133], %swap3A_136 {strides = array<i32>} : memref<1280xi32, #tpu.memory_space<vmem>>, vector<16xi32>,
      %add3A_137 = arith.constant 57344 : i32
      %add3A_138 = vector.broadcast %add3A_137 : i32 to vector<16xi32>
      %add3A_139 = arith.addi %add3A_39, %add3A_138 : vector<16xi32>
      %swap3A_140 = arith.constant 224 : index
      %swap3A_141 = tpu.vector_load %arg8[%swap3A_140] {strides = array<i32>} : memref<1280xi32, #tpu.memory_space<vmem>>, vector<16xi32>,
      %swap3A_142 = vector.shape_cast %swap3A_141 : vector<16xi32> to vector<16xi32>
      %swap3A_143 = vector.shape_cast %add3A_139 : vector<16xi32> to vector<16xi32>
      tpu.vector_store %arg8[%swap3A_140], %swap3A_143 {strides = array<i32>} : memref<1280xi32, #tpu.memory_space<vmem>>, vector<16xi32>,
      %add3A_144 = arith.constant 61440 : i32
      %add3A_145 = vector.broadcast %add3A_144 : i32 to vector<16xi32>
      %add3A_146 = arith.addi %add3A_39, %add3A_145 : vector<16xi32>
      %swap3A_147 = arith.constant 240 : index
      %swap3A_148 = tpu.vector_load %arg8[%swap3A_147] {strides = array<i32>} : memref<1280xi32, #tpu.memory_space<vmem>>, vector<16xi32>,
      %swap3A_149 = vector.shape_cast %swap3A_148 : vector<16xi32> to vector<16xi32>
      %swap3A_150 = vector.shape_cast %add3A_146 : vector<16xi32> to vector<16xi32>
      tpu.vector_store %arg8[%swap3A_147], %swap3A_150 {strides = array<i32>} : memref<1280xi32, #tpu.memory_space<vmem>>, vector<16xi32>,
      %add3A_151 = arith.constant 65536 : i32
      %add3A_152 = vector.broadcast %add3A_151 : i32 to vector<16xi32>
      %add3A_153 = arith.addi %add3A_39, %add3A_152 : vector<16xi32>
      %swap3A_154 = arith.constant 256 : index
      %swap3A_155 = tpu.vector_load %arg8[%swap3A_154] {strides = array<i32>} : memref<1280xi32, #tpu.memory_space<vmem>>, vector<16xi32>,
      %swap3A_156 = vector.shape_cast %swap3A_155 : vector<16xi32> to vector<16xi32>
      %swap3A_157 = vector.shape_cast %add3A_153 : vector<16xi32> to vector<16xi32>
      tpu.vector_store %arg8[%swap3A_154], %swap3A_157 {strides = array<i32>} : memref<1280xi32, #tpu.memory_space<vmem>>, vector<16xi32>,
      %add3A_158 = arith.constant 69632 : i32
      %add3A_159 = vector.broadcast %add3A_158 : i32 to vector<16xi32>
      %add3A_160 = arith.addi %add3A_39, %add3A_159 : vector<16xi32>
      %swap3A_161 = arith.constant 272 : index
      %swap3A_162 = tpu.vector_load %arg8[%swap3A_161] {strides = array<i32>} : memref<1280xi32, #tpu.memory_space<vmem>>, vector<16xi32>,
      %swap3A_163 = vector.shape_cast %swap3A_162 : vector<16xi32> to vector<16xi32>
      %swap3A_164 = vector.shape_cast %add3A_160 : vector<16xi32> to vector<16xi32>
      tpu.vector_store %arg8[%swap3A_161], %swap3A_164 {strides = array<i32>} : memref<1280xi32, #tpu.memory_space<vmem>>, vector<16xi32>,
      %add3A_165 = arith.constant 73728 : i32
      %add3A_166 = vector.broadcast %add3A_165 : i32 to vector<16xi32>
      %add3A_167 = arith.addi %add3A_39, %add3A_166 : vector<16xi32>
      %swap3A_168 = arith.constant 288 : index
      %swap3A_169 = tpu.vector_load %arg8[%swap3A_168] {strides = array<i32>} : memref<1280xi32, #tpu.memory_space<vmem>>, vector<16xi32>,
      %swap3A_170 = vector.shape_cast %swap3A_169 : vector<16xi32> to vector<16xi32>
      %swap3A_171 = vector.shape_cast %add3A_167 : vector<16xi32> to vector<16xi32>
      tpu.vector_store %arg8[%swap3A_168], %swap3A_171 {strides = array<i32>} : memref<1280xi32, #tpu.memory_space<vmem>>, vector<16xi32>,
      %add3A_172 = arith.constant 77824 : i32
      %add3A_173 = vector.broadcast %add3A_172 : i32 to vector<16xi32>
      %add3A_174 = arith.addi %add3A_39, %add3A_173 : vector<16xi32>
      %swap3A_175 = arith.constant 304 : index
      %swap3A_176 = tpu.vector_load %arg8[%swap3A_175] {strides = array<i32>} : memref<1280xi32, #tpu.memory_space<vmem>>, vector<16xi32>,
      %swap3A_177 = vector.shape_cast %swap3A_176 : vector<16xi32> to vector<16xi32>
      %swap3A_178 = vector.shape_cast %add3A_174 : vector<16xi32> to vector<16xi32>
      tpu.vector_store %arg8[%swap3A_175], %swap3A_178 {strides = array<i32>} : memref<1280xi32, #tpu.memory_space<vmem>>, vector<16xi32>,
      %add3A_179 = arith.constant 81920 : i32
      %add3A_180 = vector.broadcast %add3A_179 : i32 to vector<16xi32>
      %add3A_181 = arith.addi %add3A_39, %add3A_180 : vector<16xi32>
      %swap3A_182 = arith.constant 320 : index
      %swap3A_183 = tpu.vector_load %arg8[%swap3A_182] {strides = array<i32>} : memref<1280xi32, #tpu.memory_space<vmem>>, vector<16xi32>,
      %swap3A_184 = vector.shape_cast %swap3A_183 : vector<16xi32> to vector<16xi32>
      %swap3A_185 = vector.shape_cast %add3A_181 : vector<16xi32> to vector<16xi32>
      tpu.vector_store %arg8[%swap3A_182], %swap3A_185 {strides = array<i32>} : memref<1280xi32, #tpu.memory_space<vmem>>, vector<16xi32>,
      %add3A_186 = arith.constant 86016 : i32
      %add3A_187 = vector.broadcast %add3A_186 : i32 to vector<16xi32>
      %add3A_188 = arith.addi %add3A_39, %add3A_187 : vector<16xi32>
      %swap3A_189 = arith.constant 336 : index
      %swap3A_190 = tpu.vector_load %arg8[%swap3A_189] {strides = array<i32>} : memref<1280xi32, #tpu.memory_space<vmem>>, vector<16xi32>,
      %swap3A_191 = vector.shape_cast %swap3A_190 : vector<16xi32> to vector<16xi32>
      %swap3A_192 = vector.shape_cast %add3A_188 : vector<16xi32> to vector<16xi32>
      tpu.vector_store %arg8[%swap3A_189], %swap3A_192 {strides = array<i32>} : memref<1280xi32, #tpu.memory_space<vmem>>, vector<16xi32>,
      %add3A_193 = arith.constant 90112 : i32
      %add3A_194 = vector.broadcast %add3A_193 : i32 to vector<16xi32>
      %add3A_195 = arith.addi %add3A_39, %add3A_194 : vector<16xi32>
      %swap3A_196 = arith.constant 352 : index
      %swap3A_197 = tpu.vector_load %arg8[%swap3A_196] {strides = array<i32>} : memref<1280xi32, #tpu.memory_space<vmem>>, vector<16xi32>,
      %swap3A_198 = vector.shape_cast %swap3A_197 : vector<16xi32> to vector<16xi32>
      %swap3A_199 = vector.shape_cast %add3A_195 : vector<16xi32> to vector<16xi32>
      tpu.vector_store %arg8[%swap3A_196], %swap3A_199 {strides = array<i32>} : memref<1280xi32, #tpu.memory_space<vmem>>, vector<16xi32>,
      %add3A_200 = arith.constant 94208 : i32
      %add3A_201 = vector.broadcast %add3A_200 : i32 to vector<16xi32>
      %add3A_202 = arith.addi %add3A_39, %add3A_201 : vector<16xi32>
      %swap3A_203 = arith.constant 368 : index
      %swap3A_204 = tpu.vector_load %arg8[%swap3A_203] {strides = array<i32>} : memref<1280xi32, #tpu.memory_space<vmem>>, vector<16xi32>,
      %swap3A_205 = vector.shape_cast %swap3A_204 : vector<16xi32> to vector<16xi32>
      %swap3A_206 = vector.shape_cast %add3A_202 : vector<16xi32> to vector<16xi32>
      tpu.vector_store %arg8[%swap3A_203], %swap3A_206 {strides = array<i32>} : memref<1280xi32, #tpu.memory_space<vmem>>, vector<16xi32>,
      %add3A_207 = arith.constant 98304 : i32
      %add3A_208 = vector.broadcast %add3A_207 : i32 to vector<16xi32>
      %add3A_209 = arith.addi %add3A_39, %add3A_208 : vector<16xi32>
      %swap3A_210 = arith.constant 384 : index
      %swap3A_211 = tpu.vector_load %arg8[%swap3A_210] {strides = array<i32>} : memref<1280xi32, #tpu.memory_space<vmem>>, vector<16xi32>,
      %swap3A_212 = vector.shape_cast %swap3A_211 : vector<16xi32> to vector<16xi32>
      %swap3A_213 = vector.shape_cast %add3A_209 : vector<16xi32> to vector<16xi32>
      tpu.vector_store %arg8[%swap3A_210], %swap3A_213 {strides = array<i32>} : memref<1280xi32, #tpu.memory_space<vmem>>, vector<16xi32>,
      %add3A_214 = arith.constant 102400 : i32
      %add3A_215 = vector.broadcast %add3A_214 : i32 to vector<16xi32>
      %add3A_216 = arith.addi %add3A_39, %add3A_215 : vector<16xi32>
      %swap3A_217 = arith.constant 400 : index
      %swap3A_218 = tpu.vector_load %arg8[%swap3A_217] {strides = array<i32>} : memref<1280xi32, #tpu.memory_space<vmem>>, vector<16xi32>,
      %swap3A_219 = vector.shape_cast %swap3A_218 : vector<16xi32> to vector<16xi32>
      %swap3A_220 = vector.shape_cast %add3A_216 : vector<16xi32> to vector<16xi32>
      tpu.vector_store %arg8[%swap3A_217], %swap3A_220 {strides = array<i32>} : memref<1280xi32, #tpu.memory_space<vmem>>, vector<16xi32>,
      %add3A_221 = arith.constant 106496 : i32
      %add3A_222 = vector.broadcast %add3A_221 : i32 to vector<16xi32>
      %add3A_223 = arith.addi %add3A_39, %add3A_222 : vector<16xi32>
      %swap3A_224 = arith.constant 416 : index
      %swap3A_225 = tpu.vector_load %arg8[%swap3A_224] {strides = array<i32>} : memref<1280xi32, #tpu.memory_space<vmem>>, vector<16xi32>,
      %swap3A_226 = vector.shape_cast %swap3A_225 : vector<16xi32> to vector<16xi32>
      %swap3A_227 = vector.shape_cast %add3A_223 : vector<16xi32> to vector<16xi32>
      tpu.vector_store %arg8[%swap3A_224], %swap3A_227 {strides = array<i32>} : memref<1280xi32, #tpu.memory_space<vmem>>, vector<16xi32>,
      %add3A_228 = arith.constant 110592 : i32
      %add3A_229 = vector.broadcast %add3A_228 : i32 to vector<16xi32>
      %add3A_230 = arith.addi %add3A_39, %add3A_229 : vector<16xi32>
      %swap3A_231 = arith.constant 432 : index
      %swap3A_232 = tpu.vector_load %arg8[%swap3A_231] {strides = array<i32>} : memref<1280xi32, #tpu.memory_space<vmem>>, vector<16xi32>,
      %swap3A_233 = vector.shape_cast %swap3A_232 : vector<16xi32> to vector<16xi32>
      %swap3A_234 = vector.shape_cast %add3A_230 : vector<16xi32> to vector<16xi32>
      tpu.vector_store %arg8[%swap3A_231], %swap3A_234 {strides = array<i32>} : memref<1280xi32, #tpu.memory_space<vmem>>, vector<16xi32>,
      %add3A_235 = arith.constant 114688 : i32
      %add3A_236 = vector.broadcast %add3A_235 : i32 to vector<16xi32>
      %add3A_237 = arith.addi %add3A_39, %add3A_236 : vector<16xi32>
      %swap3A_238 = arith.constant 448 : index
      %swap3A_239 = tpu.vector_load %arg8[%swap3A_238] {strides = array<i32>} : memref<1280xi32, #tpu.memory_space<vmem>>, vector<16xi32>,
      %swap3A_240 = vector.shape_cast %swap3A_239 : vector<16xi32> to vector<16xi32>
      %swap3A_241 = vector.shape_cast %add3A_237 : vector<16xi32> to vector<16xi32>
      tpu.vector_store %arg8[%swap3A_238], %swap3A_241 {strides = array<i32>} : memref<1280xi32, #tpu.memory_space<vmem>>, vector<16xi32>,
      %add3A_242 = arith.constant 118784 : i32
      %add3A_243 = vector.broadcast %add3A_242 : i32 to vector<16xi32>
      %add3A_244 = arith.addi %add3A_39, %add3A_243 : vector<16xi32>
      %swap3A_245 = arith.constant 464 : index
      %swap3A_246 = tpu.vector_load %arg8[%swap3A_245] {strides = array<i32>} : memref<1280xi32, #tpu.memory_space<vmem>>, vector<16xi32>,
      %swap3A_247 = vector.shape_cast %swap3A_246 : vector<16xi32> to vector<16xi32>
      %swap3A_248 = vector.shape_cast %add3A_244 : vector<16xi32> to vector<16xi32>
      tpu.vector_store %arg8[%swap3A_245], %swap3A_248 {strides = array<i32>} : memref<1280xi32, #tpu.memory_space<vmem>>, vector<16xi32>,
      %add3A_249 = arith.constant 122880 : i32
      %add3A_250 = vector.broadcast %add3A_249 : i32 to vector<16xi32>
      %add3A_251 = arith.addi %add3A_39, %add3A_250 : vector<16xi32>
      %swap3A_252 = arith.constant 480 : index
      %swap3A_253 = tpu.vector_load %arg8[%swap3A_252] {strides = array<i32>} : memref<1280xi32, #tpu.memory_space<vmem>>, vector<16xi32>,
      %swap3A_254 = vector.shape_cast %swap3A_253 : vector<16xi32> to vector<16xi32>
      %swap3A_255 = vector.shape_cast %add3A_251 : vector<16xi32> to vector<16xi32>
      tpu.vector_store %arg8[%swap3A_252], %swap3A_255 {strides = array<i32>} : memref<1280xi32, #tpu.memory_space<vmem>>, vector<16xi32>,
      %add3A_256 = arith.constant 126976 : i32
      %add3A_257 = vector.broadcast %add3A_256 : i32 to vector<16xi32>
      %add3A_258 = arith.addi %add3A_39, %add3A_257 : vector<16xi32>
      %swap3A_259 = arith.constant 496 : index
      %swap3A_260 = tpu.vector_load %arg8[%swap3A_259] {strides = array<i32>} : memref<1280xi32, #tpu.memory_space<vmem>>, vector<16xi32>,
      %swap3A_261 = vector.shape_cast %swap3A_260 : vector<16xi32> to vector<16xi32>
      %swap3A_262 = vector.shape_cast %add3A_258 : vector<16xi32> to vector<16xi32>
      tpu.vector_store %arg8[%swap3A_259], %swap3A_262 {strides = array<i32>} : memref<1280xi32, #tpu.memory_space<vmem>>, vector<16xi32>,
      %add3A_263 = arith.constant 131072 : i32
      %add3A_264 = vector.broadcast %add3A_263 : i32 to vector<16xi32>
      %add3A_265 = arith.addi %add3A_39, %add3A_264 : vector<16xi32>
      %swap3A_266 = arith.constant 512 : index
      %swap3A_267 = tpu.vector_load %arg8[%swap3A_266] {strides = array<i32>} : memref<1280xi32, #tpu.memory_space<vmem>>, vector<16xi32>,
      %swap3A_268 = vector.shape_cast %swap3A_267 : vector<16xi32> to vector<16xi32>
      %swap3A_269 = vector.shape_cast %add3A_265 : vector<16xi32> to vector<16xi32>
      tpu.vector_store %arg8[%swap3A_266], %swap3A_269 {strides = array<i32>} : memref<1280xi32, #tpu.memory_space<vmem>>, vector<16xi32>,
      %add3A_270 = arith.constant 135168 : i32
      %add3A_271 = vector.broadcast %add3A_270 : i32 to vector<16xi32>
      %add3A_272 = arith.addi %add3A_39, %add3A_271 : vector<16xi32>
      %swap3A_273 = arith.constant 528 : index
      %swap3A_274 = tpu.vector_load %arg8[%swap3A_273] {strides = array<i32>} : memref<1280xi32, #tpu.memory_space<vmem>>, vector<16xi32>,
      %swap3A_275 = vector.shape_cast %swap3A_274 : vector<16xi32> to vector<16xi32>
      %swap3A_276 = vector.shape_cast %add3A_272 : vector<16xi32> to vector<16xi32>
      tpu.vector_store %arg8[%swap3A_273], %swap3A_276 {strides = array<i32>} : memref<1280xi32, #tpu.memory_space<vmem>>, vector<16xi32>,
      %add3A_277 = arith.constant 139264 : i32
      %add3A_278 = vector.broadcast %add3A_277 : i32 to vector<16xi32>
      %add3A_279 = arith.addi %add3A_39, %add3A_278 : vector<16xi32>
      %swap3A_280 = arith.constant 544 : index
      %swap3A_281 = tpu.vector_load %arg8[%swap3A_280] {strides = array<i32>} : memref<1280xi32, #tpu.memory_space<vmem>>, vector<16xi32>,
      %swap3A_282 = vector.shape_cast %swap3A_281 : vector<16xi32> to vector<16xi32>
      %swap3A_283 = vector.shape_cast %add3A_279 : vector<16xi32> to vector<16xi32>
      tpu.vector_store %arg8[%swap3A_280], %swap3A_283 {strides = array<i32>} : memref<1280xi32, #tpu.memory_space<vmem>>, vector<16xi32>,
      %add3A_284 = arith.constant 143360 : i32
      %add3A_285 = vector.broadcast %add3A_284 : i32 to vector<16xi32>
      %add3A_286 = arith.addi %add3A_39, %add3A_285 : vector<16xi32>
      %swap3A_287 = arith.constant 560 : index
      %swap3A_288 = tpu.vector_load %arg8[%swap3A_287] {strides = array<i32>} : memref<1280xi32, #tpu.memory_space<vmem>>, vector<16xi32>,
      %swap3A_289 = vector.shape_cast %swap3A_288 : vector<16xi32> to vector<16xi32>
      %swap3A_290 = vector.shape_cast %add3A_286 : vector<16xi32> to vector<16xi32>
      tpu.vector_store %arg8[%swap3A_287], %swap3A_290 {strides = array<i32>} : memref<1280xi32, #tpu.memory_space<vmem>>, vector<16xi32>,
      %add3A_291 = arith.constant 147456 : i32
      %add3A_292 = vector.broadcast %add3A_291 : i32 to vector<16xi32>
      %add3A_293 = arith.addi %add3A_39, %add3A_292 : vector<16xi32>
      %swap3A_294 = arith.constant 576 : index
      %swap3A_295 = tpu.vector_load %arg8[%swap3A_294] {strides = array<i32>} : memref<1280xi32, #tpu.memory_space<vmem>>, vector<16xi32>,
      %swap3A_296 = vector.shape_cast %swap3A_295 : vector<16xi32> to vector<16xi32>
      %swap3A_297 = vector.shape_cast %add3A_293 : vector<16xi32> to vector<16xi32>
      tpu.vector_store %arg8[%swap3A_294], %swap3A_297 {strides = array<i32>} : memref<1280xi32, #tpu.memory_space<vmem>>, vector<16xi32>,
      %add3A_298 = arith.constant 151552 : i32
      %add3A_299 = vector.broadcast %add3A_298 : i32 to vector<16xi32>
      %add3A_300 = arith.addi %add3A_39, %add3A_299 : vector<16xi32>
      %swap3A_301 = arith.constant 592 : index
      %swap3A_302 = tpu.vector_load %arg8[%swap3A_301] {strides = array<i32>} : memref<1280xi32, #tpu.memory_space<vmem>>, vector<16xi32>,
      %swap3A_303 = vector.shape_cast %swap3A_302 : vector<16xi32> to vector<16xi32>
      %swap3A_304 = vector.shape_cast %add3A_300 : vector<16xi32> to vector<16xi32>
      tpu.vector_store %arg8[%swap3A_301], %swap3A_304 {strides = array<i32>} : memref<1280xi32, #tpu.memory_space<vmem>>, vector<16xi32>,
      %add3A_305 = arith.constant 155648 : i32
      %add3A_306 = vector.broadcast %add3A_305 : i32 to vector<16xi32>
      %add3A_307 = arith.addi %add3A_39, %add3A_306 : vector<16xi32>
      %swap3A_308 = arith.constant 608 : index
      %swap3A_309 = tpu.vector_load %arg8[%swap3A_308] {strides = array<i32>} : memref<1280xi32, #tpu.memory_space<vmem>>, vector<16xi32>,
      %swap3A_310 = vector.shape_cast %swap3A_309 : vector<16xi32> to vector<16xi32>
      %swap3A_311 = vector.shape_cast %add3A_307 : vector<16xi32> to vector<16xi32>
      tpu.vector_store %arg8[%swap3A_308], %swap3A_311 {strides = array<i32>} : memref<1280xi32, #tpu.memory_space<vmem>>, vector<16xi32>,
      %add3A_312 = arith.constant 159744 : i32
      %add3A_313 = vector.broadcast %add3A_312 : i32 to vector<16xi32>
      %add3A_314 = arith.addi %add3A_39, %add3A_313 : vector<16xi32>
      %swap3A_315 = arith.constant 624 : index
      %swap3A_316 = tpu.vector_load %arg8[%swap3A_315] {strides = array<i32>} : memref<1280xi32, #tpu.memory_space<vmem>>, vector<16xi32>,
      %swap3A_317 = vector.shape_cast %swap3A_316 : vector<16xi32> to vector<16xi32>
      %swap3A_318 = vector.shape_cast %add3A_314 : vector<16xi32> to vector<16xi32>
      tpu.vector_store %arg8[%swap3A_315], %swap3A_318 {strides = array<i32>} : memref<1280xi32, #tpu.memory_space<vmem>>, vector<16xi32>,
      %add3A_319 = arith.constant 163840 : i32
      %add3A_320 = vector.broadcast %add3A_319 : i32 to vector<16xi32>
      %add3A_321 = arith.addi %add3A_39, %add3A_320 : vector<16xi32>
      %swap3A_322 = arith.constant 640 : index
      %swap3A_323 = tpu.vector_load %arg8[%swap3A_322] {strides = array<i32>} : memref<1280xi32, #tpu.memory_space<vmem>>, vector<16xi32>,
      %swap3A_324 = vector.shape_cast %swap3A_323 : vector<16xi32> to vector<16xi32>
      %swap3A_325 = vector.shape_cast %add3A_321 : vector<16xi32> to vector<16xi32>
      tpu.vector_store %arg8[%swap3A_322], %swap3A_325 {strides = array<i32>} : memref<1280xi32, #tpu.memory_space<vmem>>, vector<16xi32>,
      %add3A_326 = arith.constant 167936 : i32
      %add3A_327 = vector.broadcast %add3A_326 : i32 to vector<16xi32>
      %add3A_328 = arith.addi %add3A_39, %add3A_327 : vector<16xi32>
      %swap3A_329 = arith.constant 656 : index
      %swap3A_330 = tpu.vector_load %arg8[%swap3A_329] {strides = array<i32>} : memref<1280xi32, #tpu.memory_space<vmem>>, vector<16xi32>,
      %swap3A_331 = vector.shape_cast %swap3A_330 : vector<16xi32> to vector<16xi32>
      %swap3A_332 = vector.shape_cast %add3A_328 : vector<16xi32> to vector<16xi32>
      tpu.vector_store %arg8[%swap3A_329], %swap3A_332 {strides = array<i32>} : memref<1280xi32, #tpu.memory_space<vmem>>, vector<16xi32>,
      %add3A_333 = arith.constant 172032 : i32
      %add3A_334 = vector.broadcast %add3A_333 : i32 to vector<16xi32>
      %add3A_335 = arith.addi %add3A_39, %add3A_334 : vector<16xi32>
      %swap3A_336 = arith.constant 672 : index
      %swap3A_337 = tpu.vector_load %arg8[%swap3A_336] {strides = array<i32>} : memref<1280xi32, #tpu.memory_space<vmem>>, vector<16xi32>,
      %swap3A_338 = vector.shape_cast %swap3A_337 : vector<16xi32> to vector<16xi32>
      %swap3A_339 = vector.shape_cast %add3A_335 : vector<16xi32> to vector<16xi32>
      tpu.vector_store %arg8[%swap3A_336], %swap3A_339 {strides = array<i32>} : memref<1280xi32, #tpu.memory_space<vmem>>, vector<16xi32>,
      %add3A_340 = arith.constant 176128 : i32
      %add3A_341 = vector.broadcast %add3A_340 : i32 to vector<16xi32>
      %add3A_342 = arith.addi %add3A_39, %add3A_341 : vector<16xi32>
      %swap3A_343 = arith.constant 688 : index
      %swap3A_344 = tpu.vector_load %arg8[%swap3A_343] {strides = array<i32>} : memref<1280xi32, #tpu.memory_space<vmem>>, vector<16xi32>,
      %swap3A_345 = vector.shape_cast %swap3A_344 : vector<16xi32> to vector<16xi32>
      %swap3A_346 = vector.shape_cast %add3A_342 : vector<16xi32> to vector<16xi32>
      tpu.vector_store %arg8[%swap3A_343], %swap3A_346 {strides = array<i32>} : memref<1280xi32, #tpu.memory_space<vmem>>, vector<16xi32>,
      %add3A_347 = arith.constant 180224 : i32
      %add3A_348 = vector.broadcast %add3A_347 : i32 to vector<16xi32>
      %add3A_349 = arith.addi %add3A_39, %add3A_348 : vector<16xi32>
      %swap3A_350 = arith.constant 704 : index
      %swap3A_351 = tpu.vector_load %arg8[%swap3A_350] {strides = array<i32>} : memref<1280xi32, #tpu.memory_space<vmem>>, vector<16xi32>,
      %swap3A_352 = vector.shape_cast %swap3A_351 : vector<16xi32> to vector<16xi32>
      %swap3A_353 = vector.shape_cast %add3A_349 : vector<16xi32> to vector<16xi32>
      tpu.vector_store %arg8[%swap3A_350], %swap3A_353 {strides = array<i32>} : memref<1280xi32, #tpu.memory_space<vmem>>, vector<16xi32>,
      %add3A_354 = arith.constant 184320 : i32
      %add3A_355 = vector.broadcast %add3A_354 : i32 to vector<16xi32>
      %add3A_356 = arith.addi %add3A_39, %add3A_355 : vector<16xi32>
      %swap3A_357 = arith.constant 720 : index
      %swap3A_358 = tpu.vector_load %arg8[%swap3A_357] {strides = array<i32>} : memref<1280xi32, #tpu.memory_space<vmem>>, vector<16xi32>,
      %swap3A_359 = vector.shape_cast %swap3A_358 : vector<16xi32> to vector<16xi32>
      %swap3A_360 = vector.shape_cast %add3A_356 : vector<16xi32> to vector<16xi32>
      tpu.vector_store %arg8[%swap3A_357], %swap3A_360 {strides = array<i32>} : memref<1280xi32, #tpu.memory_space<vmem>>, vector<16xi32>,
      %add3A_361 = arith.constant 188416 : i32
      %add3A_362 = vector.broadcast %add3A_361 : i32 to vector<16xi32>
      %add3A_363 = arith.addi %add3A_39, %add3A_362 : vector<16xi32>
      %swap3A_364 = arith.constant 736 : index
      %swap3A_365 = tpu.vector_load %arg8[%swap3A_364] {strides = array<i32>} : memref<1280xi32, #tpu.memory_space<vmem>>, vector<16xi32>,
      %swap3A_366 = vector.shape_cast %swap3A_365 : vector<16xi32> to vector<16xi32>
      %swap3A_367 = vector.shape_cast %add3A_363 : vector<16xi32> to vector<16xi32>
      tpu.vector_store %arg8[%swap3A_364], %swap3A_367 {strides = array<i32>} : memref<1280xi32, #tpu.memory_space<vmem>>, vector<16xi32>,
      %add3A_368 = arith.constant 192512 : i32
      %add3A_369 = vector.broadcast %add3A_368 : i32 to vector<16xi32>
      %add3A_370 = arith.addi %add3A_39, %add3A_369 : vector<16xi32>
      %swap3A_371 = arith.constant 752 : index
      %swap3A_372 = tpu.vector_load %arg8[%swap3A_371] {strides = array<i32>} : memref<1280xi32, #tpu.memory_space<vmem>>, vector<16xi32>,
      %swap3A_373 = vector.shape_cast %swap3A_372 : vector<16xi32> to vector<16xi32>
      %swap3A_374 = vector.shape_cast %add3A_370 : vector<16xi32> to vector<16xi32>
      tpu.vector_store %arg8[%swap3A_371], %swap3A_374 {strides = array<i32>} : memref<1280xi32, #tpu.memory_space<vmem>>, vector<16xi32>,
      %add3A_375 = arith.constant 196608 : i32
      %add3A_376 = vector.broadcast %add3A_375 : i32 to vector<16xi32>
      %add3A_377 = arith.addi %add3A_39, %add3A_376 : vector<16xi32>
      %swap3A_378 = arith.constant 768 : index
      %swap3A_379 = tpu.vector_load %arg8[%swap3A_378] {strides = array<i32>} : memref<1280xi32, #tpu.memory_space<vmem>>, vector<16xi32>,
      %swap3A_380 = vector.shape_cast %swap3A_379 : vector<16xi32> to vector<16xi32>
      %swap3A_381 = vector.shape_cast %add3A_377 : vector<16xi32> to vector<16xi32>
      tpu.vector_store %arg8[%swap3A_378], %swap3A_381 {strides = array<i32>} : memref<1280xi32, #tpu.memory_space<vmem>>, vector<16xi32>,
      %add3A_382 = arith.constant 200704 : i32
      %add3A_383 = vector.broadcast %add3A_382 : i32 to vector<16xi32>
      %add3A_384 = arith.addi %add3A_39, %add3A_383 : vector<16xi32>
      %swap3A_385 = arith.constant 784 : index
      %swap3A_386 = tpu.vector_load %arg8[%swap3A_385] {strides = array<i32>} : memref<1280xi32, #tpu.memory_space<vmem>>, vector<16xi32>,
      %swap3A_387 = vector.shape_cast %swap3A_386 : vector<16xi32> to vector<16xi32>
      %swap3A_388 = vector.shape_cast %add3A_384 : vector<16xi32> to vector<16xi32>
      tpu.vector_store %arg8[%swap3A_385], %swap3A_388 {strides = array<i32>} : memref<1280xi32, #tpu.memory_space<vmem>>, vector<16xi32>,
      %add3A_389 = arith.constant 204800 : i32
      %add3A_390 = vector.broadcast %add3A_389 : i32 to vector<16xi32>
      %add3A_391 = arith.addi %add3A_39, %add3A_390 : vector<16xi32>
      %swap3A_392 = arith.constant 800 : index
      %swap3A_393 = tpu.vector_load %arg8[%swap3A_392] {strides = array<i32>} : memref<1280xi32, #tpu.memory_space<vmem>>, vector<16xi32>,
      %swap3A_394 = vector.shape_cast %swap3A_393 : vector<16xi32> to vector<16xi32>
      %swap3A_395 = vector.shape_cast %add3A_391 : vector<16xi32> to vector<16xi32>
      tpu.vector_store %arg8[%swap3A_392], %swap3A_395 {strides = array<i32>} : memref<1280xi32, #tpu.memory_space<vmem>>, vector<16xi32>,
      %add3A_396 = arith.constant 208896 : i32
      %add3A_397 = vector.broadcast %add3A_396 : i32 to vector<16xi32>
      %add3A_398 = arith.addi %add3A_39, %add3A_397 : vector<16xi32>
      %swap3A_399 = arith.constant 816 : index
      %swap3A_400 = tpu.vector_load %arg8[%swap3A_399] {strides = array<i32>} : memref<1280xi32, #tpu.memory_space<vmem>>, vector<16xi32>,
      %swap3A_401 = vector.shape_cast %swap3A_400 : vector<16xi32> to vector<16xi32>
      %swap3A_402 = vector.shape_cast %add3A_398 : vector<16xi32> to vector<16xi32>
      tpu.vector_store %arg8[%swap3A_399], %swap3A_402 {strides = array<i32>} : memref<1280xi32, #tpu.memory_space<vmem>>, vector<16xi32>,
      %add3A_403 = arith.constant 212992 : i32
      %add3A_404 = vector.broadcast %add3A_403 : i32 to vector<16xi32>
      %add3A_405 = arith.addi %add3A_39, %add3A_404 : vector<16xi32>
      %swap3A_406 = arith.constant 832 : index
      %swap3A_407 = tpu.vector_load %arg8[%swap3A_406] {strides = array<i32>} : memref<1280xi32, #tpu.memory_space<vmem>>, vector<16xi32>,
      %swap3A_408 = vector.shape_cast %swap3A_407 : vector<16xi32> to vector<16xi32>
      %swap3A_409 = vector.shape_cast %add3A_405 : vector<16xi32> to vector<16xi32>
      tpu.vector_store %arg8[%swap3A_406], %swap3A_409 {strides = array<i32>} : memref<1280xi32, #tpu.memory_space<vmem>>, vector<16xi32>,
      %add3A_410 = arith.constant 217088 : i32
      %add3A_411 = vector.broadcast %add3A_410 : i32 to vector<16xi32>
      %add3A_412 = arith.addi %add3A_39, %add3A_411 : vector<16xi32>
      %swap3A_413 = arith.constant 848 : index
      %swap3A_414 = tpu.vector_load %arg8[%swap3A_413] {strides = array<i32>} : memref<1280xi32, #tpu.memory_space<vmem>>, vector<16xi32>,
      %swap3A_415 = vector.shape_cast %swap3A_414 : vector<16xi32> to vector<16xi32>
      %swap3A_416 = vector.shape_cast %add3A_412 : vector<16xi32> to vector<16xi32>
      tpu.vector_store %arg8[%swap3A_413], %swap3A_416 {strides = array<i32>} : memref<1280xi32, #tpu.memory_space<vmem>>, vector<16xi32>,
      %add3A_417 = arith.constant 221184 : i32
      %add3A_418 = vector.broadcast %add3A_417 : i32 to vector<16xi32>
      %add3A_419 = arith.addi %add3A_39, %add3A_418 : vector<16xi32>
      %swap3A_420 = arith.constant 864 : index
      %swap3A_421 = tpu.vector_load %arg8[%swap3A_420] {strides = array<i32>} : memref<1280xi32, #tpu.memory_space<vmem>>, vector<16xi32>,
      %swap3A_422 = vector.shape_cast %swap3A_421 : vector<16xi32> to vector<16xi32>
      %swap3A_423 = vector.shape_cast %add3A_419 : vector<16xi32> to vector<16xi32>
      tpu.vector_store %arg8[%swap3A_420], %swap3A_423 {strides = array<i32>} : memref<1280xi32, #tpu.memory_space<vmem>>, vector<16xi32>,
      %add3A_424 = arith.constant 225280 : i32
      %add3A_425 = vector.broadcast %add3A_424 : i32 to vector<16xi32>
      %add3A_426 = arith.addi %add3A_39, %add3A_425 : vector<16xi32>
      %swap3A_427 = arith.constant 880 : index
      %swap3A_428 = tpu.vector_load %arg8[%swap3A_427] {strides = array<i32>} : memref<1280xi32, #tpu.memory_space<vmem>>, vector<16xi32>,
      %swap3A_429 = vector.shape_cast %swap3A_428 : vector<16xi32> to vector<16xi32>
      %swap3A_430 = vector.shape_cast %add3A_426 : vector<16xi32> to vector<16xi32>
      tpu.vector_store %arg8[%swap3A_427], %swap3A_430 {strides = array<i32>} : memref<1280xi32, #tpu.memory_space<vmem>>, vector<16xi32>,
      %add3A_431 = arith.constant 229376 : i32
      %add3A_432 = vector.broadcast %add3A_431 : i32 to vector<16xi32>
      %add3A_433 = arith.addi %add3A_39, %add3A_432 : vector<16xi32>
      %swap3A_434 = arith.constant 896 : index
      %swap3A_435 = tpu.vector_load %arg8[%swap3A_434] {strides = array<i32>} : memref<1280xi32, #tpu.memory_space<vmem>>, vector<16xi32>,
      %swap3A_436 = vector.shape_cast %swap3A_435 : vector<16xi32> to vector<16xi32>
      %swap3A_437 = vector.shape_cast %add3A_433 : vector<16xi32> to vector<16xi32>
      tpu.vector_store %arg8[%swap3A_434], %swap3A_437 {strides = array<i32>} : memref<1280xi32, #tpu.memory_space<vmem>>, vector<16xi32>,
      %add3A_438 = arith.constant 233472 : i32
      %add3A_439 = vector.broadcast %add3A_438 : i32 to vector<16xi32>
      %add3A_440 = arith.addi %add3A_39, %add3A_439 : vector<16xi32>
      %swap3A_441 = arith.constant 912 : index
      %swap3A_442 = tpu.vector_load %arg8[%swap3A_441] {strides = array<i32>} : memref<1280xi32, #tpu.memory_space<vmem>>, vector<16xi32>,
      %swap3A_443 = vector.shape_cast %swap3A_442 : vector<16xi32> to vector<16xi32>
      %swap3A_444 = vector.shape_cast %add3A_440 : vector<16xi32> to vector<16xi32>
      tpu.vector_store %arg8[%swap3A_441], %swap3A_444 {strides = array<i32>} : memref<1280xi32, #tpu.memory_space<vmem>>, vector<16xi32>,
      %add3A_445 = arith.constant 237568 : i32
      %add3A_446 = vector.broadcast %add3A_445 : i32 to vector<16xi32>
      %add3A_447 = arith.addi %add3A_39, %add3A_446 : vector<16xi32>
      %swap3A_448 = arith.constant 928 : index
      %swap3A_449 = tpu.vector_load %arg8[%swap3A_448] {strides = array<i32>} : memref<1280xi32, #tpu.memory_space<vmem>>, vector<16xi32>,
      %swap3A_450 = vector.shape_cast %swap3A_449 : vector<16xi32> to vector<16xi32>
      %swap3A_451 = vector.shape_cast %add3A_447 : vector<16xi32> to vector<16xi32>
      tpu.vector_store %arg8[%swap3A_448], %swap3A_451 {strides = array<i32>} : memref<1280xi32, #tpu.memory_space<vmem>>, vector<16xi32>,
      %add3A_452 = arith.constant 241664 : i32
      %add3A_453 = vector.broadcast %add3A_452 : i32 to vector<16xi32>
      %add3A_454 = arith.addi %add3A_39, %add3A_453 : vector<16xi32>
      %swap3A_455 = arith.constant 944 : index
      %swap3A_456 = tpu.vector_load %arg8[%swap3A_455] {strides = array<i32>} : memref<1280xi32, #tpu.memory_space<vmem>>, vector<16xi32>,
      %swap3A_457 = vector.shape_cast %swap3A_456 : vector<16xi32> to vector<16xi32>
      %swap3A_458 = vector.shape_cast %add3A_454 : vector<16xi32> to vector<16xi32>
      tpu.vector_store %arg8[%swap3A_455], %swap3A_458 {strides = array<i32>} : memref<1280xi32, #tpu.memory_space<vmem>>, vector<16xi32>,
      %add3A_459 = arith.constant 245760 : i32
      %add3A_460 = vector.broadcast %add3A_459 : i32 to vector<16xi32>
      %add3A_461 = arith.addi %add3A_39, %add3A_460 : vector<16xi32>
      %swap3A_462 = arith.constant 960 : index
      %swap3A_463 = tpu.vector_load %arg8[%swap3A_462] {strides = array<i32>} : memref<1280xi32, #tpu.memory_space<vmem>>, vector<16xi32>,
      %swap3A_464 = vector.shape_cast %swap3A_463 : vector<16xi32> to vector<16xi32>
      %swap3A_465 = vector.shape_cast %add3A_461 : vector<16xi32> to vector<16xi32>
      tpu.vector_store %arg8[%swap3A_462], %swap3A_465 {strides = array<i32>} : memref<1280xi32, #tpu.memory_space<vmem>>, vector<16xi32>,
      %add3A_466 = arith.constant 249856 : i32
      %add3A_467 = vector.broadcast %add3A_466 : i32 to vector<16xi32>
      %add3A_468 = arith.addi %add3A_39, %add3A_467 : vector<16xi32>
      %swap3A_469 = arith.constant 976 : index
      %swap3A_470 = tpu.vector_load %arg8[%swap3A_469] {strides = array<i32>} : memref<1280xi32, #tpu.memory_space<vmem>>, vector<16xi32>,
      %swap3A_471 = vector.shape_cast %swap3A_470 : vector<16xi32> to vector<16xi32>
      %swap3A_472 = vector.shape_cast %add3A_468 : vector<16xi32> to vector<16xi32>
      tpu.vector_store %arg8[%swap3A_469], %swap3A_472 {strides = array<i32>} : memref<1280xi32, #tpu.memory_space<vmem>>, vector<16xi32>,
      %add3A_473 = arith.constant 253952 : i32
      %add3A_474 = vector.broadcast %add3A_473 : i32 to vector<16xi32>
      %add3A_475 = arith.addi %add3A_39, %add3A_474 : vector<16xi32>
      %swap3A_476 = arith.constant 992 : index
      %swap3A_477 = tpu.vector_load %arg8[%swap3A_476] {strides = array<i32>} : memref<1280xi32, #tpu.memory_space<vmem>>, vector<16xi32>,
      %swap3A_478 = vector.shape_cast %swap3A_477 : vector<16xi32> to vector<16xi32>
      %swap3A_479 = vector.shape_cast %add3A_475 : vector<16xi32> to vector<16xi32>
      tpu.vector_store %arg8[%swap3A_476], %swap3A_479 {strides = array<i32>} : memref<1280xi32, #tpu.memory_space<vmem>>, vector<16xi32>,
      %add3A_480 = arith.constant 258048 : i32
      %add3A_481 = vector.broadcast %add3A_480 : i32 to vector<16xi32>
      %add3A_482 = arith.addi %add3A_39, %add3A_481 : vector<16xi32>
      %swap3A_483 = arith.constant 1008 : index
      %swap3A_484 = tpu.vector_load %arg8[%swap3A_483] {strides = array<i32>} : memref<1280xi32, #tpu.memory_space<vmem>>, vector<16xi32>,
      %swap3A_485 = vector.shape_cast %swap3A_484 : vector<16xi32> to vector<16xi32>
      %swap3A_486 = vector.shape_cast %add3A_482 : vector<16xi32> to vector<16xi32>
      tpu.vector_store %arg8[%swap3A_483], %swap3A_486 {strides = array<i32>} : memref<1280xi32, #tpu.memory_space<vmem>>, vector<16xi32>,
      %add3A_487 = arith.constant 262144 : i32
      %add3A_488 = vector.broadcast %add3A_487 : i32 to vector<16xi32>
      %add3A_489 = arith.addi %add3A_39, %add3A_488 : vector<16xi32>
      %swap3A_490 = arith.constant 1024 : index
      %swap3A_491 = tpu.vector_load %arg8[%swap3A_490] {strides = array<i32>} : memref<1280xi32, #tpu.memory_space<vmem>>, vector<16xi32>,
      %swap3A_492 = vector.shape_cast %swap3A_491 : vector<16xi32> to vector<16xi32>
      %swap3A_493 = vector.shape_cast %add3A_489 : vector<16xi32> to vector<16xi32>
      tpu.vector_store %arg8[%swap3A_490], %swap3A_493 {strides = array<i32>} : memref<1280xi32, #tpu.memory_space<vmem>>, vector<16xi32>,
      %add3A_494 = arith.constant 266240 : i32
      %add3A_495 = vector.broadcast %add3A_494 : i32 to vector<16xi32>
      %add3A_496 = arith.addi %add3A_39, %add3A_495 : vector<16xi32>
      %swap3A_497 = arith.constant 1040 : index
      %swap3A_498 = tpu.vector_load %arg8[%swap3A_497] {strides = array<i32>} : memref<1280xi32, #tpu.memory_space<vmem>>, vector<16xi32>,
      %swap3A_499 = vector.shape_cast %swap3A_498 : vector<16xi32> to vector<16xi32>
      %swap3A_500 = vector.shape_cast %add3A_496 : vector<16xi32> to vector<16xi32>
      tpu.vector_store %arg8[%swap3A_497], %swap3A_500 {strides = array<i32>} : memref<1280xi32, #tpu.memory_space<vmem>>, vector<16xi32>,
      %add3A_501 = arith.constant 270336 : i32
      %add3A_502 = vector.broadcast %add3A_501 : i32 to vector<16xi32>
      %add3A_503 = arith.addi %add3A_39, %add3A_502 : vector<16xi32>
      %swap3A_504 = arith.constant 1056 : index
      %swap3A_505 = tpu.vector_load %arg8[%swap3A_504] {strides = array<i32>} : memref<1280xi32, #tpu.memory_space<vmem>>, vector<16xi32>,
      %swap3A_506 = vector.shape_cast %swap3A_505 : vector<16xi32> to vector<16xi32>
      %swap3A_507 = vector.shape_cast %add3A_503 : vector<16xi32> to vector<16xi32>
      tpu.vector_store %arg8[%swap3A_504], %swap3A_507 {strides = array<i32>} : memref<1280xi32, #tpu.memory_space<vmem>>, vector<16xi32>,
      %add3A_508 = arith.constant 274432 : i32
      %add3A_509 = vector.broadcast %add3A_508 : i32 to vector<16xi32>
      %add3A_510 = arith.addi %add3A_39, %add3A_509 : vector<16xi32>
      %swap3A_511 = arith.constant 1072 : index
      %swap3A_512 = tpu.vector_load %arg8[%swap3A_511] {strides = array<i32>} : memref<1280xi32, #tpu.memory_space<vmem>>, vector<16xi32>,
      %swap3A_513 = vector.shape_cast %swap3A_512 : vector<16xi32> to vector<16xi32>
      %swap3A_514 = vector.shape_cast %add3A_510 : vector<16xi32> to vector<16xi32>
      tpu.vector_store %arg8[%swap3A_511], %swap3A_514 {strides = array<i32>} : memref<1280xi32, #tpu.memory_space<vmem>>, vector<16xi32>,
      %add3A_515 = arith.constant 278528 : i32
      %add3A_516 = vector.broadcast %add3A_515 : i32 to vector<16xi32>
      %add3A_517 = arith.addi %add3A_39, %add3A_516 : vector<16xi32>
      %swap3A_518 = arith.constant 1088 : index
      %swap3A_519 = tpu.vector_load %arg8[%swap3A_518] {strides = array<i32>} : memref<1280xi32, #tpu.memory_space<vmem>>, vector<16xi32>,
      %swap3A_520 = vector.shape_cast %swap3A_519 : vector<16xi32> to vector<16xi32>
      %swap3A_521 = vector.shape_cast %add3A_517 : vector<16xi32> to vector<16xi32>
      tpu.vector_store %arg8[%swap3A_518], %swap3A_521 {strides = array<i32>} : memref<1280xi32, #tpu.memory_space<vmem>>, vector<16xi32>,
      %add3A_522 = arith.constant 282624 : i32
      %add3A_523 = vector.broadcast %add3A_522 : i32 to vector<16xi32>
      %add3A_524 = arith.addi %add3A_39, %add3A_523 : vector<16xi32>
      %swap3A_525 = arith.constant 1104 : index
      %swap3A_526 = tpu.vector_load %arg8[%swap3A_525] {strides = array<i32>} : memref<1280xi32, #tpu.memory_space<vmem>>, vector<16xi32>,
      %swap3A_527 = vector.shape_cast %swap3A_526 : vector<16xi32> to vector<16xi32>
      %swap3A_528 = vector.shape_cast %add3A_524 : vector<16xi32> to vector<16xi32>
      tpu.vector_store %arg8[%swap3A_525], %swap3A_528 {strides = array<i32>} : memref<1280xi32, #tpu.memory_space<vmem>>, vector<16xi32>,
      %add3A_529 = arith.constant 286720 : i32
      %add3A_530 = vector.broadcast %add3A_529 : i32 to vector<16xi32>
      %add3A_531 = arith.addi %add3A_39, %add3A_530 : vector<16xi32>
      %swap3A_532 = arith.constant 1120 : index
      %swap3A_533 = tpu.vector_load %arg8[%swap3A_532] {strides = array<i32>} : memref<1280xi32, #tpu.memory_space<vmem>>, vector<16xi32>,
      %swap3A_534 = vector.shape_cast %swap3A_533 : vector<16xi32> to vector<16xi32>
      %swap3A_535 = vector.shape_cast %add3A_531 : vector<16xi32> to vector<16xi32>
      tpu.vector_store %arg8[%swap3A_532], %swap3A_535 {strides = array<i32>} : memref<1280xi32, #tpu.memory_space<vmem>>, vector<16xi32>,
      %add3A_536 = arith.constant 290816 : i32
      %add3A_537 = vector.broadcast %add3A_536 : i32 to vector<16xi32>
      %add3A_538 = arith.addi %add3A_39, %add3A_537 : vector<16xi32>
      %swap3A_539 = arith.constant 1136 : index
      %swap3A_540 = tpu.vector_load %arg8[%swap3A_539] {strides = array<i32>} : memref<1280xi32, #tpu.memory_space<vmem>>, vector<16xi32>,
      %swap3A_541 = vector.shape_cast %swap3A_540 : vector<16xi32> to vector<16xi32>
      %swap3A_542 = vector.shape_cast %add3A_538 : vector<16xi32> to vector<16xi32>
      tpu.vector_store %arg8[%swap3A_539], %swap3A_542 {strides = array<i32>} : memref<1280xi32, #tpu.memory_space<vmem>>, vector<16xi32>,
      %add3A_543 = arith.constant 294912 : i32
      %add3A_544 = vector.broadcast %add3A_543 : i32 to vector<16xi32>
      %add3A_545 = arith.addi %add3A_39, %add3A_544 : vector<16xi32>
      %swap3A_546 = arith.constant 1152 : index
      %swap3A_547 = tpu.vector_load %arg8[%swap3A_546] {strides = array<i32>} : memref<1280xi32, #tpu.memory_space<vmem>>, vector<16xi32>,
      %swap3A_548 = vector.shape_cast %swap3A_547 : vector<16xi32> to vector<16xi32>
      %swap3A_549 = vector.shape_cast %add3A_545 : vector<16xi32> to vector<16xi32>
      tpu.vector_store %arg8[%swap3A_546], %swap3A_549 {strides = array<i32>} : memref<1280xi32, #tpu.memory_space<vmem>>, vector<16xi32>,
      %add3A_550 = arith.constant 299008 : i32
      %add3A_551 = vector.broadcast %add3A_550 : i32 to vector<16xi32>
      %add3A_552 = arith.addi %add3A_39, %add3A_551 : vector<16xi32>
      %swap3A_553 = arith.constant 1168 : index
      %swap3A_554 = tpu.vector_load %arg8[%swap3A_553] {strides = array<i32>} : memref<1280xi32, #tpu.memory_space<vmem>>, vector<16xi32>,
      %swap3A_555 = vector.shape_cast %swap3A_554 : vector<16xi32> to vector<16xi32>
      %swap3A_556 = vector.shape_cast %add3A_552 : vector<16xi32> to vector<16xi32>
      tpu.vector_store %arg8[%swap3A_553], %swap3A_556 {strides = array<i32>} : memref<1280xi32, #tpu.memory_space<vmem>>, vector<16xi32>,
      %add3A_557 = arith.constant 303104 : i32
      %add3A_558 = vector.broadcast %add3A_557 : i32 to vector<16xi32>
      %add3A_559 = arith.addi %add3A_39, %add3A_558 : vector<16xi32>
      %swap3A_560 = arith.constant 1184 : index
      %swap3A_561 = tpu.vector_load %arg8[%swap3A_560] {strides = array<i32>} : memref<1280xi32, #tpu.memory_space<vmem>>, vector<16xi32>,
      %swap3A_562 = vector.shape_cast %swap3A_561 : vector<16xi32> to vector<16xi32>
      %swap3A_563 = vector.shape_cast %add3A_559 : vector<16xi32> to vector<16xi32>
      tpu.vector_store %arg8[%swap3A_560], %swap3A_563 {strides = array<i32>} : memref<1280xi32, #tpu.memory_space<vmem>>, vector<16xi32>,
      %broadcast_in_dim3A = arith.constant 0 : i32
      %broadcast_in_dim3A_564 = vector.broadcast %broadcast_in_dim3A : i32 to vector<16xi32>
      %swap3A_565 = arith.constant 1200 : index
      %swap3A_566 = tpu.vector_load %arg8[%swap3A_565] {strides = array<i32>} : memref<1280xi32, #tpu.memory_space<vmem>>, vector<16xi32>,
      %swap3A_567 = vector.shape_cast %swap3A_566 : vector<16xi32> to vector<16xi32>
      %swap3A_568 = vector.shape_cast %broadcast_in_dim3A_564 : vector<16xi32> to vector<16xi32>
      tpu.vector_store %arg8[%swap3A_565], %swap3A_568 {strides = array<i32>} : memref<1280xi32, #tpu.memory_space<vmem>>, vector<16xi32>,
      %broadcast_in_dim3A_569 = arith.constant 0 : i32
      %broadcast_in_dim3A_570 = vector.broadcast %broadcast_in_dim3A_569 : i32 to vector<16xi32>
      %swap3A_571 = arith.constant 1216 : index
      %swap3A_572 = tpu.vector_load %arg8[%swap3A_571] {strides = array<i32>} : memref<1280xi32, #tpu.memory_space<vmem>>, vector<16xi32>,
      %swap3A_573 = vector.shape_cast %swap3A_572 : vector<16xi32> to vector<16xi32>
      %swap3A_574 = vector.shape_cast %broadcast_in_dim3A_570 : vector<16xi32> to vector<16xi32>
      tpu.vector_store %arg8[%swap3A_571], %swap3A_574 {strides = array<i32>} : memref<1280xi32, #tpu.memory_space<vmem>>, vector<16xi32>,
      %broadcast_in_dim3A_575 = arith.constant 0 : i32
      %broadcast_in_dim3A_576 = vector.broadcast %broadcast_in_dim3A_575 : i32 to vector<16xi32>
      %swap3A_577 = arith.constant 1232 : index
      %swap3A_578 = tpu.vector_load %arg8[%swap3A_577] {strides = array<i32>} : memref<1280xi32, #tpu.memory_space<vmem>>, vector<16xi32>,
      %swap3A_579 = vector.shape_cast %swap3A_578 : vector<16xi32> to vector<16xi32>
      %swap3A_580 = vector.shape_cast %broadcast_in_dim3A_576 : vector<16xi32> to vector<16xi32>
      tpu.vector_store %arg8[%swap3A_577], %swap3A_580 {strides = array<i32>} : memref<1280xi32, #tpu.memory_space<vmem>>, vector<16xi32>,
      %broadcast_in_dim3A_581 = arith.constant 0 : i32
      %broadcast_in_dim3A_582 = vector.broadcast %broadcast_in_dim3A_581 : i32 to vector<16xi32>
      %swap3A_583 = arith.constant 1248 : index
      %swap3A_584 = tpu.vector_load %arg8[%swap3A_583] {strides = array<i32>} : memref<1280xi32, #tpu.memory_space<vmem>>, vector<16xi32>,
      %swap3A_585 = vector.shape_cast %swap3A_584 : vector<16xi32> to vector<16xi32>
      %swap3A_586 = vector.shape_cast %broadcast_in_dim3A_582 : vector<16xi32> to vector<16xi32>
      tpu.vector_store %arg8[%swap3A_583], %swap3A_586 {strides = array<i32>} : memref<1280xi32, #tpu.memory_space<vmem>>, vector<16xi32>,
      %broadcast_in_dim3A_587 = arith.constant 0 : i32
      %broadcast_in_dim3A_588 = vector.broadcast %broadcast_in_dim3A_587 : i32 to vector<16xi32>
      %swap3A_589 = arith.constant 1264 : index
      %swap3A_590 = tpu.vector_load %arg8[%swap3A_589] {strides = array<i32>} : memref<1280xi32, #tpu.memory_space<vmem>>, vector<16xi32>,
      %swap3A_591 = vector.shape_cast %swap3A_590 : vector<16xi32> to vector<16xi32>
      %swap3A_592 = vector.shape_cast %broadcast_in_dim3A_588 : vector<16xi32> to vector<16xi32>
      tpu.vector_store %arg8[%swap3A_589], %swap3A_592 {strides = array<i32>} : memref<1280xi32, #tpu.memory_space<vmem>>, vector<16xi32>,
      %dma_start3A = arith.constant 0 : i32
      %dma_start3A_593 = tpu.memref_slice %arg9[%dma_start3A] : memref<1280xf32, #tpu.memory_space<vmem>> -> memref<80xf32, #tpu.memory_space<vmem>>
      %dma_start3A_594 = arith.constant 0 : i32
      %dma_start3A_595 = tpu.memref_slice %arg8[%dma_start3A_594] : memref<1280xi32, #tpu.memory_space<vmem>> -> memref<80xi32, #tpu.memory_space<vmem>>
      %dma_start3A_596 = arith.constant 0 : i32
      %dma_start3A_597 = tpu.memref_slice %arg2[%dma_start3A_596] : memref<4915200xf32, #tpu.memory_space<hbm>> -> memref<4915200xf32, #tpu.memory_space<hbm>>
      tpu.enqueue_indirect_dma source(%dma_start3A_597 : memref<4915200xf32, #tpu.memory_space<hbm>>) target(%dma_start3A_593 : memref<80xf32, #tpu.memory_space<vmem>>) offsets(%dma_start3A_595 : memref<80xi32, #tpu.memory_space<vmem>>) semaphore(%arg11 : memref<!tpu.dma_semaphore, #tpu.memory_space<semaphore_mem>>)
      %dma_start3A_598 = arith.constant 80 : i32
      %dma_start3A_599 = tpu.memref_slice %arg9[%dma_start3A_598] : memref<1280xf32, #tpu.memory_space<vmem>> -> memref<80xf32, #tpu.memory_space<vmem>>
      %dma_start3A_600 = arith.constant 80 : i32
      %dma_start3A_601 = tpu.memref_slice %arg8[%dma_start3A_600] : memref<1280xi32, #tpu.memory_space<vmem>> -> memref<80xi32, #tpu.memory_space<vmem>>
      %dma_start3A_602 = arith.constant 0 : i32
      %dma_start3A_603 = tpu.memref_slice %arg2[%dma_start3A_602] : memref<4915200xf32, #tpu.memory_space<hbm>> -> memref<4915200xf32, #tpu.memory_space<hbm>>
      tpu.enqueue_indirect_dma source(%dma_start3A_603 : memref<4915200xf32, #tpu.memory_space<hbm>>) target(%dma_start3A_599 : memref<80xf32, #tpu.memory_space<vmem>>) offsets(%dma_start3A_601 : memref<80xi32, #tpu.memory_space<vmem>>) semaphore(%arg11 : memref<!tpu.dma_semaphore, #tpu.memory_space<semaphore_mem>>)
      %dma_start3A_604 = arith.constant 160 : i32
      %dma_start3A_605 = tpu.memref_slice %arg9[%dma_start3A_604] : memref<1280xf32, #tpu.memory_space<vmem>> -> memref<80xf32, #tpu.memory_space<vmem>>
      %dma_start3A_606 = arith.constant 160 : i32
      %dma_start3A_607 = tpu.memref_slice %arg8[%dma_start3A_606] : memref<1280xi32, #tpu.memory_space<vmem>> -> memref<80xi32, #tpu.memory_space<vmem>>
      %dma_start3A_608 = arith.constant 0 : i32
      %dma_start3A_609 = tpu.memref_slice %arg2[%dma_start3A_608] : memref<4915200xf32, #tpu.memory_space<hbm>> -> memref<4915200xf32, #tpu.memory_space<hbm>>
      tpu.enqueue_indirect_dma source(%dma_start3A_609 : memref<4915200xf32, #tpu.memory_space<hbm>>) target(%dma_start3A_605 : memref<80xf32, #tpu.memory_space<vmem>>) offsets(%dma_start3A_607 : memref<80xi32, #tpu.memory_space<vmem>>) semaphore(%arg11 : memref<!tpu.dma_semaphore, #tpu.memory_space<semaphore_mem>>)
      %dma_start3A_610 = arith.constant 240 : i32
      %dma_start3A_611 = tpu.memref_slice %arg9[%dma_start3A_610] : memref<1280xf32, #tpu.memory_space<vmem>> -> memref<80xf32, #tpu.memory_space<vmem>>
      %dma_start3A_612 = arith.constant 240 : i32
      %dma_start3A_613 = tpu.memref_slice %arg8[%dma_start3A_612] : memref<1280xi32, #tpu.memory_space<vmem>> -> memref<80xi32, #tpu.memory_space<vmem>>
      %dma_start3A_614 = arith.constant 0 : i32
      %dma_start3A_615 = tpu.memref_slice %arg2[%dma_start3A_614] : memref<4915200xf32, #tpu.memory_space<hbm>> -> memref<4915200xf32, #tpu.memory_space<hbm>>
      tpu.enqueue_indirect_dma source(%dma_start3A_615 : memref<4915200xf32, #tpu.memory_space<hbm>>) target(%dma_start3A_611 : memref<80xf32, #tpu.memory_space<vmem>>) offsets(%dma_start3A_613 : memref<80xi32, #tpu.memory_space<vmem>>) semaphore(%arg11 : memref<!tpu.dma_semaphore, #tpu.memory_space<semaphore_mem>>)
      %dma_start3A_616 = arith.constant 320 : i32
      %dma_start3A_617 = tpu.memref_slice %arg9[%dma_start3A_616] : memref<1280xf32, #tpu.memory_space<vmem>> -> memref<80xf32, #tpu.memory_space<vmem>>
      %dma_start3A_618 = arith.constant 320 : i32
      %dma_start3A_619 = tpu.memref_slice %arg8[%dma_start3A_618] : memref<1280xi32, #tpu.memory_space<vmem>> -> memref<80xi32, #tpu.memory_space<vmem>>
      %dma_start3A_620 = arith.constant 0 : i32
      %dma_start3A_621 = tpu.memref_slice %arg2[%dma_start3A_620] : memref<4915200xf32, #tpu.memory_space<hbm>> -> memref<4915200xf32, #tpu.memory_space<hbm>>
      tpu.enqueue_indirect_dma source(%dma_start3A_621 : memref<4915200xf32, #tpu.memory_space<hbm>>) target(%dma_start3A_617 : memref<80xf32, #tpu.memory_space<vmem>>) offsets(%dma_start3A_619 : memref<80xi32, #tpu.memory_space<vmem>>) semaphore(%arg11 : memref<!tpu.dma_semaphore, #tpu.memory_space<semaphore_mem>>)
      %dma_start3A_622 = arith.constant 400 : i32
      %dma_start3A_623 = tpu.memref_slice %arg9[%dma_start3A_622] : memref<1280xf32, #tpu.memory_space<vmem>> -> memref<80xf32, #tpu.memory_space<vmem>>
      %dma_start3A_624 = arith.constant 400 : i32
      %dma_start3A_625 = tpu.memref_slice %arg8[%dma_start3A_624] : memref<1280xi32, #tpu.memory_space<vmem>> -> memref<80xi32, #tpu.memory_space<vmem>>
      %dma_start3A_626 = arith.constant 0 : i32
      %dma_start3A_627 = tpu.memref_slice %arg2[%dma_start3A_626] : memref<4915200xf32, #tpu.memory_space<hbm>> -> memref<4915200xf32, #tpu.memory_space<hbm>>
      tpu.enqueue_indirect_dma source(%dma_start3A_627 : memref<4915200xf32, #tpu.memory_space<hbm>>) target(%dma_start3A_623 : memref<80xf32, #tpu.memory_space<vmem>>) offsets(%dma_start3A_625 : memref<80xi32, #tpu.memory_space<vmem>>) semaphore(%arg11 : memref<!tpu.dma_semaphore, #tpu.memory_space<semaphore_mem>>)
      %dma_start3A_628 = arith.constant 480 : i32
      %dma_start3A_629 = tpu.memref_slice %arg9[%dma_start3A_628] : memref<1280xf32, #tpu.memory_space<vmem>> -> memref<80xf32, #tpu.memory_space<vmem>>
      %dma_start3A_630 = arith.constant 480 : i32
      %dma_start3A_631 = tpu.memref_slice %arg8[%dma_start3A_630] : memref<1280xi32, #tpu.memory_space<vmem>> -> memref<80xi32, #tpu.memory_space<vmem>>
      %dma_start3A_632 = arith.constant 0 : i32
      %dma_start3A_633 = tpu.memref_slice %arg2[%dma_start3A_632] : memref<4915200xf32, #tpu.memory_space<hbm>> -> memref<4915200xf32, #tpu.memory_space<hbm>>
      tpu.enqueue_indirect_dma source(%dma_start3A_633 : memref<4915200xf32, #tpu.memory_space<hbm>>) target(%dma_start3A_629 : memref<80xf32, #tpu.memory_space<vmem>>) offsets(%dma_start3A_631 : memref<80xi32, #tpu.memory_space<vmem>>) semaphore(%arg11 : memref<!tpu.dma_semaphore, #tpu.memory_space<semaphore_mem>>)
      %dma_start3A_634 = arith.constant 560 : i32
      %dma_start3A_635 = tpu.memref_slice %arg9[%dma_start3A_634] : memref<1280xf32, #tpu.memory_space<vmem>> -> memref<80xf32, #tpu.memory_space<vmem>>
      %dma_start3A_636 = arith.constant 560 : i32
      %dma_start3A_637 = tpu.memref_slice %arg8[%dma_start3A_636] : memref<1280xi32, #tpu.memory_space<vmem>> -> memref<80xi32, #tpu.memory_space<vmem>>
      %dma_start3A_638 = arith.constant 0 : i32
      %dma_start3A_639 = tpu.memref_slice %arg2[%dma_start3A_638] : memref<4915200xf32, #tpu.memory_space<hbm>> -> memref<4915200xf32, #tpu.memory_space<hbm>>
      tpu.enqueue_indirect_dma source(%dma_start3A_639 : memref<4915200xf32, #tpu.memory_space<hbm>>) target(%dma_start3A_635 : memref<80xf32, #tpu.memory_space<vmem>>) offsets(%dma_start3A_637 : memref<80xi32, #tpu.memory_space<vmem>>) semaphore(%arg11 : memref<!tpu.dma_semaphore, #tpu.memory_space<semaphore_mem>>)
      %dma_start3A_640 = arith.constant 640 : i32
      %dma_start3A_641 = tpu.memref_slice %arg9[%dma_start3A_640] : memref<1280xf32, #tpu.memory_space<vmem>> -> memref<80xf32, #tpu.memory_space<vmem>>
      %dma_start3A_642 = arith.constant 640 : i32
      %dma_start3A_643 = tpu.memref_slice %arg8[%dma_start3A_642] : memref<1280xi32, #tpu.memory_space<vmem>> -> memref<80xi32, #tpu.memory_space<vmem>>
      %dma_start3A_644 = arith.constant 0 : i32
      %dma_start3A_645 = tpu.memref_slice %arg2[%dma_start3A_644] : memref<4915200xf32, #tpu.memory_space<hbm>> -> memref<4915200xf32, #tpu.memory_space<hbm>>
      tpu.enqueue_indirect_dma source(%dma_start3A_645 : memref<4915200xf32, #tpu.memory_space<hbm>>) target(%dma_start3A_641 : memref<80xf32, #tpu.memory_space<vmem>>) offsets(%dma_start3A_643 : memref<80xi32, #tpu.memory_space<vmem>>) semaphore(%arg11 : memref<!tpu.dma_semaphore, #tpu.memory_space<semaphore_mem>>)
      %dma_start3A_646 = arith.constant 720 : i32
      %dma_start3A_647 = tpu.memref_slice %arg9[%dma_start3A_646] : memref<1280xf32, #tpu.memory_space<vmem>> -> memref<80xf32, #tpu.memory_space<vmem>>
      %dma_start3A_648 = arith.constant 720 : i32
      %dma_start3A_649 = tpu.memref_slice %arg8[%dma_start3A_648] : memref<1280xi32, #tpu.memory_space<vmem>> -> memref<80xi32, #tpu.memory_space<vmem>>
      %dma_start3A_650 = arith.constant 0 : i32
      %dma_start3A_651 = tpu.memref_slice %arg2[%dma_start3A_650] : memref<4915200xf32, #tpu.memory_space<hbm>> -> memref<4915200xf32, #tpu.memory_space<hbm>>
      tpu.enqueue_indirect_dma source(%dma_start3A_651 : memref<4915200xf32, #tpu.memory_space<hbm>>) target(%dma_start3A_647 : memref<80xf32, #tpu.memory_space<vmem>>) offsets(%dma_start3A_649 : memref<80xi32, #tpu.memory_space<vmem>>) semaphore(%arg11 : memref<!tpu.dma_semaphore, #tpu.memory_space<semaphore_mem>>)
      %dma_start3A_652 = arith.constant 800 : i32
      %dma_start3A_653 = tpu.memref_slice %arg9[%dma_start3A_652] : memref<1280xf32, #tpu.memory_space<vmem>> -> memref<80xf32, #tpu.memory_space<vmem>>
      %dma_start3A_654 = arith.constant 800 : i32
      %dma_start3A_655 = tpu.memref_slice %arg8[%dma_start3A_654] : memref<1280xi32, #tpu.memory_space<vmem>> -> memref<80xi32, #tpu.memory_space<vmem>>
      %dma_start3A_656 = arith.constant 0 : i32
      %dma_start3A_657 = tpu.memref_slice %arg2[%dma_start3A_656] : memref<4915200xf32, #tpu.memory_space<hbm>> -> memref<4915200xf32, #tpu.memory_space<hbm>>
      tpu.enqueue_indirect_dma source(%dma_start3A_657 : memref<4915200xf32, #tpu.memory_space<hbm>>) target(%dma_start3A_653 : memref<80xf32, #tpu.memory_space<vmem>>) offsets(%dma_start3A_655 : memref<80xi32, #tpu.memory_space<vmem>>) semaphore(%arg11 : memref<!tpu.dma_semaphore, #tpu.memory_space<semaphore_mem>>)
      %dma_start3A_658 = arith.constant 880 : i32
      %dma_start3A_659 = tpu.memref_slice %arg9[%dma_start3A_658] : memref<1280xf32, #tpu.memory_space<vmem>> -> memref<80xf32, #tpu.memory_space<vmem>>
      %dma_start3A_660 = arith.constant 880 : i32
      %dma_start3A_661 = tpu.memref_slice %arg8[%dma_start3A_660] : memref<1280xi32, #tpu.memory_space<vmem>> -> memref<80xi32, #tpu.memory_space<vmem>>
      %dma_start3A_662 = arith.constant 0 : i32
      %dma_start3A_663 = tpu.memref_slice %arg2[%dma_start3A_662] : memref<4915200xf32, #tpu.memory_space<hbm>> -> memref<4915200xf32, #tpu.memory_space<hbm>>
      tpu.enqueue_indirect_dma source(%dma_start3A_663 : memref<4915200xf32, #tpu.memory_space<hbm>>) target(%dma_start3A_659 : memref<80xf32, #tpu.memory_space<vmem>>) offsets(%dma_start3A_661 : memref<80xi32, #tpu.memory_space<vmem>>) semaphore(%arg11 : memref<!tpu.dma_semaphore, #tpu.memory_space<semaphore_mem>>)
      %dma_start3A_664 = arith.constant 960 : i32
      %dma_start3A_665 = tpu.memref_slice %arg9[%dma_start3A_664] : memref<1280xf32, #tpu.memory_space<vmem>> -> memref<80xf32, #tpu.memory_space<vmem>>
      %dma_start3A_666 = arith.constant 960 : i32
      %dma_start3A_667 = tpu.memref_slice %arg8[%dma_start3A_666] : memref<1280xi32, #tpu.memory_space<vmem>> -> memref<80xi32, #tpu.memory_space<vmem>>
      %dma_start3A_668 = arith.constant 0 : i32
      %dma_start3A_669 = tpu.memref_slice %arg2[%dma_start3A_668] : memref<4915200xf32, #tpu.memory_space<hbm>> -> memref<4915200xf32, #tpu.memory_space<hbm>>
      tpu.enqueue_indirect_dma source(%dma_start3A_669 : memref<4915200xf32, #tpu.memory_space<hbm>>) target(%dma_start3A_665 : memref<80xf32, #tpu.memory_space<vmem>>) offsets(%dma_start3A_667 : memref<80xi32, #tpu.memory_space<vmem>>) semaphore(%arg11 : memref<!tpu.dma_semaphore, #tpu.memory_space<semaphore_mem>>)
      %dma_start3A_670 = arith.constant 1040 : i32
      %dma_start3A_671 = tpu.memref_slice %arg9[%dma_start3A_670] : memref<1280xf32, #tpu.memory_space<vmem>> -> memref<80xf32, #tpu.memory_space<vmem>>
      %dma_start3A_672 = arith.constant 1040 : i32
      %dma_start3A_673 = tpu.memref_slice %arg8[%dma_start3A_672] : memref<1280xi32, #tpu.memory_space<vmem>> -> memref<80xi32, #tpu.memory_space<vmem>>
      %dma_start3A_674 = arith.constant 0 : i32
      %dma_start3A_675 = tpu.memref_slice %arg2[%dma_start3A_674] : memref<4915200xf32, #tpu.memory_space<hbm>> -> memref<4915200xf32, #tpu.memory_space<hbm>>
      tpu.enqueue_indirect_dma source(%dma_start3A_675 : memref<4915200xf32, #tpu.memory_space<hbm>>) target(%dma_start3A_671 : memref<80xf32, #tpu.memory_space<vmem>>) offsets(%dma_start3A_673 : memref<80xi32, #tpu.memory_space<vmem>>) semaphore(%arg11 : memref<!tpu.dma_semaphore, #tpu.memory_space<semaphore_mem>>)
      %dma_start3A_676 = arith.constant 1120 : i32
      %dma_start3A_677 = tpu.memref_slice %arg9[%dma_start3A_676] : memref<1280xf32, #tpu.memory_space<vmem>> -> memref<80xf32, #tpu.memory_space<vmem>>
      %dma_start3A_678 = arith.constant 1120 : i32
      %dma_start3A_679 = tpu.memref_slice %arg8[%dma_start3A_678] : memref<1280xi32, #tpu.memory_space<vmem>> -> memref<80xi32, #tpu.memory_space<vmem>>
      %dma_start3A_680 = arith.constant 0 : i32
      %dma_start3A_681 = tpu.memref_slice %arg2[%dma_start3A_680] : memref<4915200xf32, #tpu.memory_space<hbm>> -> memref<4915200xf32, #tpu.memory_space<hbm>>
      tpu.enqueue_indirect_dma source(%dma_start3A_681 : memref<4915200xf32, #tpu.memory_space<hbm>>) target(%dma_start3A_677 : memref<80xf32, #tpu.memory_space<vmem>>) offsets(%dma_start3A_679 : memref<80xi32, #tpu.memory_space<vmem>>) semaphore(%arg11 : memref<!tpu.dma_semaphore, #tpu.memory_space<semaphore_mem>>)
      %dma_start3A_682 = arith.constant 1200 : i32
      %dma_start3A_683 = tpu.memref_slice %arg9[%dma_start3A_682] : memref<1280xf32, #tpu.memory_space<vmem>> -> memref<80xf32, #tpu.memory_space<vmem>>
      %dma_start3A_684 = arith.constant 1200 : i32
      %dma_start3A_685 = tpu.memref_slice %arg8[%dma_start3A_684] : memref<1280xi32, #tpu.memory_space<vmem>> -> memref<80xi32, #tpu.memory_space<vmem>>
      %dma_start3A_686 = arith.constant 0 : i32
      %dma_start3A_687 = tpu.memref_slice %arg2[%dma_start3A_686] : memref<4915200xf32, #tpu.memory_space<hbm>> -> memref<4915200xf32, #tpu.memory_space<hbm>>
      tpu.enqueue_indirect_dma source(%dma_start3A_687 : memref<4915200xf32, #tpu.memory_space<hbm>>) target(%dma_start3A_683 : memref<80xf32, #tpu.memory_space<vmem>>) offsets(%dma_start3A_685 : memref<80xi32, #tpu.memory_space<vmem>>) semaphore(%arg11 : memref<!tpu.dma_semaphore, #tpu.memory_space<semaphore_mem>>)
      %dma_wait3A = arith.constant 0 : i32
      %dma_wait3A_688 = tpu.memref_slice %arg9[%dma_wait3A] : memref<1280xf32, #tpu.memory_space<vmem>> -> memref<80xf32, #tpu.memory_space<vmem>>
      %dma_wait3A_689 = arith.constant 0 : i32
      %dma_wait3A_690 = tpu.memref_slice %arg8[%dma_wait3A_689] : memref<1280xi32, #tpu.memory_space<vmem>> -> memref<80xi32, #tpu.memory_space<vmem>>
      %dma_wait3A_691 = arith.constant 0 : i32
      %dma_wait3A_692 = tpu.memref_slice %arg2[%dma_wait3A_691] : memref<4915200xf32, #tpu.memory_space<hbm>> -> memref<4915200xf32, #tpu.memory_space<hbm>>
      tpu.wait_indirect_dma semaphore(%arg11 : memref<!tpu.dma_semaphore, #tpu.memory_space<semaphore_mem>>) src(%dma_wait3A_692 : memref<4915200xf32, #tpu.memory_space<hbm>>) dst(%dma_wait3A_688 : memref<80xf32, #tpu.memory_space<vmem>>)
      %dma_wait3A_693 = arith.constant 80 : i32
      %dma_wait3A_694 = tpu.memref_slice %arg9[%dma_wait3A_693] : memref<1280xf32, #tpu.memory_space<vmem>> -> memref<80xf32, #tpu.memory_space<vmem>>
      %dma_wait3A_695 = arith.constant 80 : i32
      %dma_wait3A_696 = tpu.memref_slice %arg8[%dma_wait3A_695] : memref<1280xi32, #tpu.memory_space<vmem>> -> memref<80xi32, #tpu.memory_space<vmem>>
      %dma_wait3A_697 = arith.constant 0 : i32
      %dma_wait3A_698 = tpu.memref_slice %arg2[%dma_wait3A_697] : memref<4915200xf32, #tpu.memory_space<hbm>> -> memref<4915200xf32, #tpu.memory_space<hbm>>
      tpu.wait_indirect_dma semaphore(%arg11 : memref<!tpu.dma_semaphore, #tpu.memory_space<semaphore_mem>>) src(%dma_wait3A_698 : memref<4915200xf32, #tpu.memory_space<hbm>>) dst(%dma_wait3A_694 : memref<80xf32, #tpu.memory_space<vmem>>)
      %dma_wait3A_699 = arith.constant 160 : i32
      %dma_wait3A_700 = tpu.memref_slice %arg9[%dma_wait3A_699] : memref<1280xf32, #tpu.memory_space<vmem>> -> memref<80xf32, #tpu.memory_space<vmem>>
      %dma_wait3A_701 = arith.constant 160 : i32
      %dma_wait3A_702 = tpu.memref_slice %arg8[%dma_wait3A_701] : memref<1280xi32, #tpu.memory_space<vmem>> -> memref<80xi32, #tpu.memory_space<vmem>>
      %dma_wait3A_703 = arith.constant 0 : i32
      %dma_wait3A_704 = tpu.memref_slice %arg2[%dma_wait3A_703] : memref<4915200xf32, #tpu.memory_space<hbm>> -> memref<4915200xf32, #tpu.memory_space<hbm>>
      tpu.wait_indirect_dma semaphore(%arg11 : memref<!tpu.dma_semaphore, #tpu.memory_space<semaphore_mem>>) src(%dma_wait3A_704 : memref<4915200xf32, #tpu.memory_space<hbm>>) dst(%dma_wait3A_700 : memref<80xf32, #tpu.memory_space<vmem>>)
      %dma_wait3A_705 = arith.constant 240 : i32
      %dma_wait3A_706 = tpu.memref_slice %arg9[%dma_wait3A_705] : memref<1280xf32, #tpu.memory_space<vmem>> -> memref<80xf32, #tpu.memory_space<vmem>>
      %dma_wait3A_707 = arith.constant 240 : i32
      %dma_wait3A_708 = tpu.memref_slice %arg8[%dma_wait3A_707] : memref<1280xi32, #tpu.memory_space<vmem>> -> memref<80xi32, #tpu.memory_space<vmem>>
      %dma_wait3A_709 = arith.constant 0 : i32
      %dma_wait3A_710 = tpu.memref_slice %arg2[%dma_wait3A_709] : memref<4915200xf32, #tpu.memory_space<hbm>> -> memref<4915200xf32, #tpu.memory_space<hbm>>
      tpu.wait_indirect_dma semaphore(%arg11 : memref<!tpu.dma_semaphore, #tpu.memory_space<semaphore_mem>>) src(%dma_wait3A_710 : memref<4915200xf32, #tpu.memory_space<hbm>>) dst(%dma_wait3A_706 : memref<80xf32, #tpu.memory_space<vmem>>)
      %dma_wait3A_711 = arith.constant 320 : i32
      %dma_wait3A_712 = tpu.memref_slice %arg9[%dma_wait3A_711] : memref<1280xf32, #tpu.memory_space<vmem>> -> memref<80xf32, #tpu.memory_space<vmem>>
      %dma_wait3A_713 = arith.constant 320 : i32
      %dma_wait3A_714 = tpu.memref_slice %arg8[%dma_wait3A_713] : memref<1280xi32, #tpu.memory_space<vmem>> -> memref<80xi32, #tpu.memory_space<vmem>>
      %dma_wait3A_715 = arith.constant 0 : i32
      %dma_wait3A_716 = tpu.memref_slice %arg2[%dma_wait3A_715] : memref<4915200xf32, #tpu.memory_space<hbm>> -> memref<4915200xf32, #tpu.memory_space<hbm>>
      tpu.wait_indirect_dma semaphore(%arg11 : memref<!tpu.dma_semaphore, #tpu.memory_space<semaphore_mem>>) src(%dma_wait3A_716 : memref<4915200xf32, #tpu.memory_space<hbm>>) dst(%dma_wait3A_712 : memref<80xf32, #tpu.memory_space<vmem>>)
      %dma_wait3A_717 = arith.constant 400 : i32
      %dma_wait3A_718 = tpu.memref_slice %arg9[%dma_wait3A_717] : memref<1280xf32, #tpu.memory_space<vmem>> -> memref<80xf32, #tpu.memory_space<vmem>>
      %dma_wait3A_719 = arith.constant 400 : i32
      %dma_wait3A_720 = tpu.memref_slice %arg8[%dma_wait3A_719] : memref<1280xi32, #tpu.memory_space<vmem>> -> memref<80xi32, #tpu.memory_space<vmem>>
      %dma_wait3A_721 = arith.constant 0 : i32
      %dma_wait3A_722 = tpu.memref_slice %arg2[%dma_wait3A_721] : memref<4915200xf32, #tpu.memory_space<hbm>> -> memref<4915200xf32, #tpu.memory_space<hbm>>
      tpu.wait_indirect_dma semaphore(%arg11 : memref<!tpu.dma_semaphore, #tpu.memory_space<semaphore_mem>>) src(%dma_wait3A_722 : memref<4915200xf32, #tpu.memory_space<hbm>>) dst(%dma_wait3A_718 : memref<80xf32, #tpu.memory_space<vmem>>)
      %dma_wait3A_723 = arith.constant 480 : i32
      %dma_wait3A_724 = tpu.memref_slice %arg9[%dma_wait3A_723] : memref<1280xf32, #tpu.memory_space<vmem>> -> memref<80xf32, #tpu.memory_space<vmem>>
      %dma_wait3A_725 = arith.constant 480 : i32
      %dma_wait3A_726 = tpu.memref_slice %arg8[%dma_wait3A_725] : memref<1280xi32, #tpu.memory_space<vmem>> -> memref<80xi32, #tpu.memory_space<vmem>>
      %dma_wait3A_727 = arith.constant 0 : i32
      %dma_wait3A_728 = tpu.memref_slice %arg2[%dma_wait3A_727] : memref<4915200xf32, #tpu.memory_space<hbm>> -> memref<4915200xf32, #tpu.memory_space<hbm>>
      tpu.wait_indirect_dma semaphore(%arg11 : memref<!tpu.dma_semaphore, #tpu.memory_space<semaphore_mem>>) src(%dma_wait3A_728 : memref<4915200xf32, #tpu.memory_space<hbm>>) dst(%dma_wait3A_724 : memref<80xf32, #tpu.memory_space<vmem>>)
      %dma_wait3A_729 = arith.constant 560 : i32
      %dma_wait3A_730 = tpu.memref_slice %arg9[%dma_wait3A_729] : memref<1280xf32, #tpu.memory_space<vmem>> -> memref<80xf32, #tpu.memory_space<vmem>>
      %dma_wait3A_731 = arith.constant 560 : i32
      %dma_wait3A_732 = tpu.memref_slice %arg8[%dma_wait3A_731] : memref<1280xi32, #tpu.memory_space<vmem>> -> memref<80xi32, #tpu.memory_space<vmem>>
      %dma_wait3A_733 = arith.constant 0 : i32
      %dma_wait3A_734 = tpu.memref_slice %arg2[%dma_wait3A_733] : memref<4915200xf32, #tpu.memory_space<hbm>> -> memref<4915200xf32, #tpu.memory_space<hbm>>
      tpu.wait_indirect_dma semaphore(%arg11 : memref<!tpu.dma_semaphore, #tpu.memory_space<semaphore_mem>>) src(%dma_wait3A_734 : memref<4915200xf32, #tpu.memory_space<hbm>>) dst(%dma_wait3A_730 : memref<80xf32, #tpu.memory_space<vmem>>)
      %dma_wait3A_735 = arith.constant 640 : i32
      %dma_wait3A_736 = tpu.memref_slice %arg9[%dma_wait3A_735] : memref<1280xf32, #tpu.memory_space<vmem>> -> memref<80xf32, #tpu.memory_space<vmem>>
      %dma_wait3A_737 = arith.constant 640 : i32
      %dma_wait3A_738 = tpu.memref_slice %arg8[%dma_wait3A_737] : memref<1280xi32, #tpu.memory_space<vmem>> -> memref<80xi32, #tpu.memory_space<vmem>>
      %dma_wait3A_739 = arith.constant 0 : i32
      %dma_wait3A_740 = tpu.memref_slice %arg2[%dma_wait3A_739] : memref<4915200xf32, #tpu.memory_space<hbm>> -> memref<4915200xf32, #tpu.memory_space<hbm>>
      tpu.wait_indirect_dma semaphore(%arg11 : memref<!tpu.dma_semaphore, #tpu.memory_space<semaphore_mem>>) src(%dma_wait3A_740 : memref<4915200xf32, #tpu.memory_space<hbm>>) dst(%dma_wait3A_736 : memref<80xf32, #tpu.memory_space<vmem>>)
      %dma_wait3A_741 = arith.constant 720 : i32
      %dma_wait3A_742 = tpu.memref_slice %arg9[%dma_wait3A_741] : memref<1280xf32, #tpu.memory_space<vmem>> -> memref<80xf32, #tpu.memory_space<vmem>>
      %dma_wait3A_743 = arith.constant 720 : i32
      %dma_wait3A_744 = tpu.memref_slice %arg8[%dma_wait3A_743] : memref<1280xi32, #tpu.memory_space<vmem>> -> memref<80xi32, #tpu.memory_space<vmem>>
      %dma_wait3A_745 = arith.constant 0 : i32
      %dma_wait3A_746 = tpu.memref_slice %arg2[%dma_wait3A_745] : memref<4915200xf32, #tpu.memory_space<hbm>> -> memref<4915200xf32, #tpu.memory_space<hbm>>
      tpu.wait_indirect_dma semaphore(%arg11 : memref<!tpu.dma_semaphore, #tpu.memory_space<semaphore_mem>>) src(%dma_wait3A_746 : memref<4915200xf32, #tpu.memory_space<hbm>>) dst(%dma_wait3A_742 : memref<80xf32, #tpu.memory_space<vmem>>)
      %dma_wait3A_747 = arith.constant 800 : i32
      %dma_wait3A_748 = tpu.memref_slice %arg9[%dma_wait3A_747] : memref<1280xf32, #tpu.memory_space<vmem>> -> memref<80xf32, #tpu.memory_space<vmem>>
      %dma_wait3A_749 = arith.constant 800 : i32
      %dma_wait3A_750 = tpu.memref_slice %arg8[%dma_wait3A_749] : memref<1280xi32, #tpu.memory_space<vmem>> -> memref<80xi32, #tpu.memory_space<vmem>>
      %dma_wait3A_751 = arith.constant 0 : i32
      %dma_wait3A_752 = tpu.memref_slice %arg2[%dma_wait3A_751] : memref<4915200xf32, #tpu.memory_space<hbm>> -> memref<4915200xf32, #tpu.memory_space<hbm>>
      tpu.wait_indirect_dma semaphore(%arg11 : memref<!tpu.dma_semaphore, #tpu.memory_space<semaphore_mem>>) src(%dma_wait3A_752 : memref<4915200xf32, #tpu.memory_space<hbm>>) dst(%dma_wait3A_748 : memref<80xf32, #tpu.memory_space<vmem>>)
      %dma_wait3A_753 = arith.constant 880 : i32
      %dma_wait3A_754 = tpu.memref_slice %arg9[%dma_wait3A_753] : memref<1280xf32, #tpu.memory_space<vmem>> -> memref<80xf32, #tpu.memory_space<vmem>>
      %dma_wait3A_755 = arith.constant 880 : i32
      %dma_wait3A_756 = tpu.memref_slice %arg8[%dma_wait3A_755] : memref<1280xi32, #tpu.memory_space<vmem>> -> memref<80xi32, #tpu.memory_space<vmem>>
      %dma_wait3A_757 = arith.constant 0 : i32
      %dma_wait3A_758 = tpu.memref_slice %arg2[%dma_wait3A_757] : memref<4915200xf32, #tpu.memory_space<hbm>> -> memref<4915200xf32, #tpu.memory_space<hbm>>
      tpu.wait_indirect_dma semaphore(%arg11 : memref<!tpu.dma_semaphore, #tpu.memory_space<semaphore_mem>>) src(%dma_wait3A_758 : memref<4915200xf32, #tpu.memory_space<hbm>>) dst(%dma_wait3A_754 : memref<80xf32, #tpu.memory_space<vmem>>)
      %dma_wait3A_759 = arith.constant 960 : i32
      %dma_wait3A_760 = tpu.memref_slice %arg9[%dma_wait3A_759] : memref<1280xf32, #tpu.memory_space<vmem>> -> memref<80xf32, #tpu.memory_space<vmem>>
      %dma_wait3A_761 = arith.constant 960 : i32
      %dma_wait3A_762 = tpu.memref_slice %arg8[%dma_wait3A_761] : memref<1280xi32, #tpu.memory_space<vmem>> -> memref<80xi32, #tpu.memory_space<vmem>>
      %dma_wait3A_763 = arith.constant 0 : i32
      %dma_wait3A_764 = tpu.memref_slice %arg2[%dma_wait3A_763] : memref<4915200xf32, #tpu.memory_space<hbm>> -> memref<4915200xf32, #tpu.memory_space<hbm>>
      tpu.wait_indirect_dma semaphore(%arg11 : memref<!tpu.dma_semaphore, #tpu.memory_space<semaphore_mem>>) src(%dma_wait3A_764 : memref<4915200xf32, #tpu.memory_space<hbm>>) dst(%dma_wait3A_760 : memref<80xf32, #tpu.memory_space<vmem>>)
      %dma_wait3A_765 = arith.constant 1040 : i32
      %dma_wait3A_766 = tpu.memref_slice %arg9[%dma_wait3A_765] : memref<1280xf32, #tpu.memory_space<vmem>> -> memref<80xf32, #tpu.memory_space<vmem>>
      %dma_wait3A_767 = arith.constant 1040 : i32
      %dma_wait3A_768 = tpu.memref_slice %arg8[%dma_wait3A_767] : memref<1280xi32, #tpu.memory_space<vmem>> -> memref<80xi32, #tpu.memory_space<vmem>>
      %dma_wait3A_769 = arith.constant 0 : i32
      %dma_wait3A_770 = tpu.memref_slice %arg2[%dma_wait3A_769] : memref<4915200xf32, #tpu.memory_space<hbm>> -> memref<4915200xf32, #tpu.memory_space<hbm>>
      tpu.wait_indirect_dma semaphore(%arg11 : memref<!tpu.dma_semaphore, #tpu.memory_space<semaphore_mem>>) src(%dma_wait3A_770 : memref<4915200xf32, #tpu.memory_space<hbm>>) dst(%dma_wait3A_766 : memref<80xf32, #tpu.memory_space<vmem>>)
      %dma_wait3A_771 = arith.constant 1120 : i32
      %dma_wait3A_772 = tpu.memref_slice %arg9[%dma_wait3A_771] : memref<1280xf32, #tpu.memory_space<vmem>> -> memref<80xf32, #tpu.memory_space<vmem>>
      %dma_wait3A_773 = arith.constant 1120 : i32
      %dma_wait3A_774 = tpu.memref_slice %arg8[%dma_wait3A_773] : memref<1280xi32, #tpu.memory_space<vmem>> -> memref<80xi32, #tpu.memory_space<vmem>>
      %dma_wait3A_775 = arith.constant 0 : i32
      %dma_wait3A_776 = tpu.memref_slice %arg2[%dma_wait3A_775] : memref<4915200xf32, #tpu.memory_space<hbm>> -> memref<4915200xf32, #tpu.memory_space<hbm>>
      tpu.wait_indirect_dma semaphore(%arg11 : memref<!tpu.dma_semaphore, #tpu.memory_space<semaphore_mem>>) src(%dma_wait3A_776 : memref<4915200xf32, #tpu.memory_space<hbm>>) dst(%dma_wait3A_772 : memref<80xf32, #tpu.memory_space<vmem>>)
      %dma_wait3A_777 = arith.constant 1200 : i32
      %dma_wait3A_778 = tpu.memref_slice %arg9[%dma_wait3A_777] : memref<1280xf32, #tpu.memory_space<vmem>> -> memref<80xf32, #tpu.memory_space<vmem>>
      %dma_wait3A_779 = arith.constant 1200 : i32
      %dma_wait3A_780 = tpu.memref_slice %arg8[%dma_wait3A_779] : memref<1280xi32, #tpu.memory_space<vmem>> -> memref<80xi32, #tpu.memory_space<vmem>>
      %dma_wait3A_781 = arith.constant 0 : i32
      %dma_wait3A_782 = tpu.memref_slice %arg2[%dma_wait3A_781] : memref<4915200xf32, #tpu.memory_space<hbm>> -> memref<4915200xf32, #tpu.memory_space<hbm>>
      tpu.wait_indirect_dma semaphore(%arg11 : memref<!tpu.dma_semaphore, #tpu.memory_space<semaphore_mem>>) src(%dma_wait3A_782 : memref<4915200xf32, #tpu.memory_space<hbm>>) dst(%dma_wait3A_778 : memref<80xf32, #tpu.memory_space<vmem>>)
      %mul3A_783 = arith.constant 16 : i32
      %mul3A_784 = arith.muli %add3A, %mul3A_783 : i32
      %mul3A_785 = arith.constant 80 : i32
      %mul3A_786 = arith.muli %mul3A_784, %mul3A_785 : i32
      "tpu.region"() ({
        %run_scoped3A = tpu.sem_alloc : memref<!tpu.dma_semaphore, #tpu.memory_space<semaphore_mem>>
        %dma_start3A_787 = tpu.memref_slice %arg4[%mul3A_786] : memref<25600xf32, #tpu.memory_space<hbm>> -> memref<1280xf32, #tpu.memory_space<hbm>>
        %dma_start3A_788 = tpu.memref_slice %arg4[%mul3A_786] : memref<25600xf32, #tpu.memory_space<hbm>> -> memref<1280xf32, #tpu.memory_space<hbm>>
        tpu.enqueue_dma source(%arg9 : memref<1280xf32, #tpu.memory_space<vmem>>) target(%dma_start3A_788 : memref<1280xf32, #tpu.memory_space<hbm>>) target_semaphore(%run_scoped3A : memref<!tpu.dma_semaphore, #tpu.memory_space<semaphore_mem>>)
        %dma_wait3A_789 = tpu.memref_slice %arg4[%mul3A_786] : memref<25600xf32, #tpu.memory_space<hbm>> -> memref<1280xf32, #tpu.memory_space<hbm>>
        %dma_wait3A_790 = tpu.memref_slice %arg4[%mul3A_786] : memref<25600xf32, #tpu.memory_space<hbm>> -> memref<1280xf32, #tpu.memory_space<hbm>>
        tpu.wait_dma2 semaphore(%run_scoped3A : memref<!tpu.dma_semaphore, #tpu.memory_space<semaphore_mem>>) src(%arg9 : memref<1280xf32, #tpu.memory_space<vmem>>) dst(%dma_wait3A_790 : memref<1280xf32, #tpu.memory_space<hbm>>)
        tpu.yield
      }) : () -> ()
    } else {
    }
    %ge3A = arith.constant 20 : i32
    %ge3A_3 = arith.cmpi sge, %add3A, %ge3A : i32
    %convert_element_type3A_4 = arith.extui %ge3A_3 : i1 to i32
    %cond3A_5 = arith.constant 0 : i32
    %cond3A_6 = arith.cmpi ne, %convert_element_type3A_4, %cond3A_5 : i32
    scf.if %cond3A_6 {
      %sub3A = arith.constant 20 : i32
      %sub3A_7 = arith.subi %add3A, %sub3A : i32
      %mul3A_8 = arith.constant 7 : i32
      %mul3A_9 = arith.muli %sub3A_7, %mul3A_8 : i32
      %add3A_10 = arith.constant 0 : i32
      %add3A_11 = arith.addi %mul3A_9, %add3A_10 : i32
      %min3A = arith.constant 79 : i32
      %min3A_12 = arith.minsi %add3A_11, %min3A : i32
      %div3A = arith.constant 5 : i32
      %div3A_13 = arith.divsi %min3A_12, %div3A : i32
      %rem3A = arith.constant 5 : i32
      %rem3A_14 = arith.remsi %min3A_12, %rem3A : i32
      %mul3A_15 = arith.constant 307200 : i32
      %mul3A_16 = arith.muli %div3A_13, %mul3A_15 : i32
      %mul3A_17 = arith.constant 15 : i32
      %mul3A_18 = arith.muli %mul3A_17, %rem3A_14 : i32
      %add3A_19 = arith.constant 6 : i32
      %add3A_20 = arith.addi %mul3A_18, %add3A_19 : i32
      %mul3A_21 = arith.constant 4096 : i32
      %mul3A_22 = arith.muli %add3A_20, %mul3A_21 : i32
      %add3A_23 = arith.addi %mul3A_16, %mul3A_22 : i32
      "tpu.region"() ({
        %run_scoped3A = tpu.sem_alloc : memref<!tpu.dma_semaphore, #tpu.memory_space<semaphore_mem>>
        %dma_start3A = tpu.memref_slice %arg2[%add3A_23] : memref<4915200xf32, #tpu.memory_space<hbm>> -> memref<4096xf32, #tpu.memory_space<hbm>>
        %dma_start3A_164 = tpu.memref_slice %arg2[%add3A_23] : memref<4915200xf32, #tpu.memory_space<hbm>> -> memref<4096xf32, #tpu.memory_space<hbm>>
        tpu.enqueue_dma source(%dma_start3A_164 : memref<4096xf32, #tpu.memory_space<hbm>>) target(%arg10 : memref<4096xf32, #tpu.memory_space<vmem>>) target_semaphore(%run_scoped3A : memref<!tpu.dma_semaphore, #tpu.memory_space<semaphore_mem>>)
        %dma_wait3A = tpu.memref_slice %arg2[%add3A_23] : memref<4915200xf32, #tpu.memory_space<hbm>> -> memref<4096xf32, #tpu.memory_space<hbm>>
        %dma_wait3A_165 = tpu.memref_slice %arg2[%add3A_23] : memref<4915200xf32, #tpu.memory_space<hbm>> -> memref<4096xf32, #tpu.memory_space<hbm>>
        tpu.wait_dma2 semaphore(%run_scoped3A : memref<!tpu.dma_semaphore, #tpu.memory_space<semaphore_mem>>) src(%dma_wait3A_165 : memref<4096xf32, #tpu.memory_space<hbm>>) dst(%arg10 : memref<4096xf32, #tpu.memory_space<vmem>>)
        tpu.yield
      }) : () -> ()
      %mul3A_24 = arith.constant 4096 : i32
      %mul3A_25 = arith.muli %min3A_12, %mul3A_24 : i32
      "tpu.region"() ({
        %run_scoped3A = tpu.sem_alloc : memref<!tpu.dma_semaphore, #tpu.memory_space<semaphore_mem>>
        %dma_start3A = tpu.memref_slice %arg5[%mul3A_25] : memref<327680xf32, #tpu.memory_space<hbm>> -> memref<4096xf32, #tpu.memory_space<hbm>>
        %dma_start3A_164 = tpu.memref_slice %arg5[%mul3A_25] : memref<327680xf32, #tpu.memory_space<hbm>> -> memref<4096xf32, #tpu.memory_space<hbm>>
        tpu.enqueue_dma source(%arg10 : memref<4096xf32, #tpu.memory_space<vmem>>) target(%dma_start3A_164 : memref<4096xf32, #tpu.memory_space<hbm>>) target_semaphore(%run_scoped3A : memref<!tpu.dma_semaphore, #tpu.memory_space<semaphore_mem>>)
        %dma_wait3A = tpu.memref_slice %arg5[%mul3A_25] : memref<327680xf32, #tpu.memory_space<hbm>> -> memref<4096xf32, #tpu.memory_space<hbm>>
        %dma_wait3A_165 = tpu.memref_slice %arg5[%mul3A_25] : memref<327680xf32, #tpu.memory_space<hbm>> -> memref<4096xf32, #tpu.memory_space<hbm>>
        tpu.wait_dma2 semaphore(%run_scoped3A : memref<!tpu.dma_semaphore, #tpu.memory_space<semaphore_mem>>) src(%arg10 : memref<4096xf32, #tpu.memory_space<vmem>>) dst(%dma_wait3A_165 : memref<4096xf32, #tpu.memory_space<hbm>>)
        tpu.yield
      }) : () -> ()
      %sub3A_26 = arith.constant 20 : i32
      %sub3A_27 = arith.subi %add3A, %sub3A_26 : i32
      %mul3A_28 = arith.constant 7 : i32
      %mul3A_29 = arith.muli %sub3A_27, %mul3A_28 : i32
      %add3A_30 = arith.constant 1 : i32
      %add3A_31 = arith.addi %mul3A_29, %add3A_30 : i32
      %min3A_32 = arith.constant 79 : i32
      %min3A_33 = arith.minsi %add3A_31, %min3A_32 : i32
      %div3A_34 = arith.constant 5 : i32
      %div3A_35 = arith.divsi %min3A_33, %div3A_34 : i32
      %rem3A_36 = arith.constant 5 : i32
      %rem3A_37 = arith.remsi %min3A_33, %rem3A_36 : i32
      %mul3A_38 = arith.constant 307200 : i32
      %mul3A_39 = arith.muli %div3A_35, %mul3A_38 : i32
      %mul3A_40 = arith.constant 15 : i32
      %mul3A_41 = arith.muli %mul3A_40, %rem3A_37 : i32
      %add3A_42 = arith.constant 6 : i32
      %add3A_43 = arith.addi %mul3A_41, %add3A_42 : i32
      %mul3A_44 = arith.constant 4096 : i32
      %mul3A_45 = arith.muli %add3A_43, %mul3A_44 : i32
      %add3A_46 = arith.addi %mul3A_39, %mul3A_45 : i32
      "tpu.region"() ({
        %run_scoped3A = tpu.sem_alloc : memref<!tpu.dma_semaphore, #tpu.memory_space<semaphore_mem>>
        %dma_start3A = tpu.memref_slice %arg2[%add3A_46] : memref<4915200xf32, #tpu.memory_space<hbm>> -> memref<4096xf32, #tpu.memory_space<hbm>>
        %dma_start3A_164 = tpu.memref_slice %arg2[%add3A_46] : memref<4915200xf32, #tpu.memory_space<hbm>> -> memref<4096xf32, #tpu.memory_space<hbm>>
        tpu.enqueue_dma source(%dma_start3A_164 : memref<4096xf32, #tpu.memory_space<hbm>>) target(%arg10 : memref<4096xf32, #tpu.memory_space<vmem>>) target_semaphore(%run_scoped3A : memref<!tpu.dma_semaphore, #tpu.memory_space<semaphore_mem>>)
        %dma_wait3A = tpu.memref_slice %arg2[%add3A_46] : memref<4915200xf32, #tpu.memory_space<hbm>> -> memref<4096xf32, #tpu.memory_space<hbm>>
        %dma_wait3A_165 = tpu.memref_slice %arg2[%add3A_46] : memref<4915200xf32, #tpu.memory_space<hbm>> -> memref<4096xf32, #tpu.memory_space<hbm>>
        tpu.wait_dma2 semaphore(%run_scoped3A : memref<!tpu.dma_semaphore, #tpu.memory_space<semaphore_mem>>) src(%dma_wait3A_165 : memref<4096xf32, #tpu.memory_space<hbm>>) dst(%arg10 : memref<4096xf32, #tpu.memory_space<vmem>>)
        tpu.yield
      }) : () -> ()
      %mul3A_47 = arith.constant 4096 : i32
      %mul3A_48 = arith.muli %min3A_33, %mul3A_47 : i32
      "tpu.region"() ({
        %run_scoped3A = tpu.sem_alloc : memref<!tpu.dma_semaphore, #tpu.memory_space<semaphore_mem>>
        %dma_start3A = tpu.memref_slice %arg5[%mul3A_48] : memref<327680xf32, #tpu.memory_space<hbm>> -> memref<4096xf32, #tpu.memory_space<hbm>>
        %dma_start3A_164 = tpu.memref_slice %arg5[%mul3A_48] : memref<327680xf32, #tpu.memory_space<hbm>> -> memref<4096xf32, #tpu.memory_space<hbm>>
        tpu.enqueue_dma source(%arg10 : memref<4096xf32, #tpu.memory_space<vmem>>) target(%dma_start3A_164 : memref<4096xf32, #tpu.memory_space<hbm>>) target_semaphore(%run_scoped3A : memref<!tpu.dma_semaphore, #tpu.memory_space<semaphore_mem>>)
        %dma_wait3A = tpu.memref_slice %arg5[%mul3A_48] : memref<327680xf32, #tpu.memory_space<hbm>> -> memref<4096xf32, #tpu.memory_space<hbm>>
        %dma_wait3A_165 = tpu.memref_slice %arg5[%mul3A_48] : memref<327680xf32, #tpu.memory_space<hbm>> -> memref<4096xf32, #tpu.memory_space<hbm>>
        tpu.wait_dma2 semaphore(%run_scoped3A : memref<!tpu.dma_semaphore, #tpu.memory_space<semaphore_mem>>) src(%arg10 : memref<4096xf32, #tpu.memory_space<vmem>>) dst(%dma_wait3A_165 : memref<4096xf32, #tpu.memory_space<hbm>>)
        tpu.yield
      }) : () -> ()
      %sub3A_49 = arith.constant 20 : i32
      %sub3A_50 = arith.subi %add3A, %sub3A_49 : i32
      %mul3A_51 = arith.constant 7 : i32
      %mul3A_52 = arith.muli %sub3A_50, %mul3A_51 : i32
      %add3A_53 = arith.constant 2 : i32
      %add3A_54 = arith.addi %mul3A_52, %add3A_53 : i32
      %min3A_55 = arith.constant 79 : i32
      %min3A_56 = arith.minsi %add3A_54, %min3A_55 : i32
      %div3A_57 = arith.constant 5 : i32
      %div3A_58 = arith.divsi %min3A_56, %div3A_57 : i32
      %rem3A_59 = arith.constant 5 : i32
      %rem3A_60 = arith.remsi %min3A_56, %rem3A_59 : i32
      %mul3A_61 = arith.constant 307200 : i32
      %mul3A_62 = arith.muli %div3A_58, %mul3A_61 : i32
      %mul3A_63 = arith.constant 15 : i32
      %mul3A_64 = arith.muli %mul3A_63, %rem3A_60 : i32
      %add3A_65 = arith.constant 6 : i32
      %add3A_66 = arith.addi %mul3A_64, %add3A_65 : i32
      %mul3A_67 = arith.constant 4096 : i32
      %mul3A_68 = arith.muli %add3A_66, %mul3A_67 : i32
      %add3A_69 = arith.addi %mul3A_62, %mul3A_68 : i32
      "tpu.region"() ({
        %run_scoped3A = tpu.sem_alloc : memref<!tpu.dma_semaphore, #tpu.memory_space<semaphore_mem>>
        %dma_start3A = tpu.memref_slice %arg2[%add3A_69] : memref<4915200xf32, #tpu.memory_space<hbm>> -> memref<4096xf32, #tpu.memory_space<hbm>>
        %dma_start3A_164 = tpu.memref_slice %arg2[%add3A_69] : memref<4915200xf32, #tpu.memory_space<hbm>> -> memref<4096xf32, #tpu.memory_space<hbm>>
        tpu.enqueue_dma source(%dma_start3A_164 : memref<4096xf32, #tpu.memory_space<hbm>>) target(%arg10 : memref<4096xf32, #tpu.memory_space<vmem>>) target_semaphore(%run_scoped3A : memref<!tpu.dma_semaphore, #tpu.memory_space<semaphore_mem>>)
        %dma_wait3A = tpu.memref_slice %arg2[%add3A_69] : memref<4915200xf32, #tpu.memory_space<hbm>> -> memref<4096xf32, #tpu.memory_space<hbm>>
        %dma_wait3A_165 = tpu.memref_slice %arg2[%add3A_69] : memref<4915200xf32, #tpu.memory_space<hbm>> -> memref<4096xf32, #tpu.memory_space<hbm>>
        tpu.wait_dma2 semaphore(%run_scoped3A : memref<!tpu.dma_semaphore, #tpu.memory_space<semaphore_mem>>) src(%dma_wait3A_165 : memref<4096xf32, #tpu.memory_space<hbm>>) dst(%arg10 : memref<4096xf32, #tpu.memory_space<vmem>>)
        tpu.yield
      }) : () -> ()
      %mul3A_70 = arith.constant 4096 : i32
      %mul3A_71 = arith.muli %min3A_56, %mul3A_70 : i32
      "tpu.region"() ({
        %run_scoped3A = tpu.sem_alloc : memref<!tpu.dma_semaphore, #tpu.memory_space<semaphore_mem>>
        %dma_start3A = tpu.memref_slice %arg5[%mul3A_71] : memref<327680xf32, #tpu.memory_space<hbm>> -> memref<4096xf32, #tpu.memory_space<hbm>>
        %dma_start3A_164 = tpu.memref_slice %arg5[%mul3A_71] : memref<327680xf32, #tpu.memory_space<hbm>> -> memref<4096xf32, #tpu.memory_space<hbm>>
        tpu.enqueue_dma source(%arg10 : memref<4096xf32, #tpu.memory_space<vmem>>) target(%dma_start3A_164 : memref<4096xf32, #tpu.memory_space<hbm>>) target_semaphore(%run_scoped3A : memref<!tpu.dma_semaphore, #tpu.memory_space<semaphore_mem>>)
        %dma_wait3A = tpu.memref_slice %arg5[%mul3A_71] : memref<327680xf32, #tpu.memory_space<hbm>> -> memref<4096xf32, #tpu.memory_space<hbm>>
        %dma_wait3A_165 = tpu.memref_slice %arg5[%mul3A_71] : memref<327680xf32, #tpu.memory_space<hbm>> -> memref<4096xf32, #tpu.memory_space<hbm>>
        tpu.wait_dma2 semaphore(%run_scoped3A : memref<!tpu.dma_semaphore, #tpu.memory_space<semaphore_mem>>) src(%arg10 : memref<4096xf32, #tpu.memory_space<vmem>>) dst(%dma_wait3A_165 : memref<4096xf32, #tpu.memory_space<hbm>>)
        tpu.yield
      }) : () -> ()
      %sub3A_72 = arith.constant 20 : i32
      %sub3A_73 = arith.subi %add3A, %sub3A_72 : i32
      %mul3A_74 = arith.constant 7 : i32
      %mul3A_75 = arith.muli %sub3A_73, %mul3A_74 : i32
      %add3A_76 = arith.constant 3 : i32
      %add3A_77 = arith.addi %mul3A_75, %add3A_76 : i32
      %min3A_78 = arith.constant 79 : i32
      %min3A_79 = arith.minsi %add3A_77, %min3A_78 : i32
      %div3A_80 = arith.constant 5 : i32
      %div3A_81 = arith.divsi %min3A_79, %div3A_80 : i32
      %rem3A_82 = arith.constant 5 : i32
      %rem3A_83 = arith.remsi %min3A_79, %rem3A_82 : i32
      %mul3A_84 = arith.constant 307200 : i32
      %mul3A_85 = arith.muli %div3A_81, %mul3A_84 : i32
      %mul3A_86 = arith.constant 15 : i32
      %mul3A_87 = arith.muli %mul3A_86, %rem3A_83 : i32
      %add3A_88 = arith.constant 6 : i32
      %add3A_89 = arith.addi %mul3A_87, %add3A_88 : i32
      %mul3A_90 = arith.constant 4096 : i32
      %mul3A_91 = arith.muli %add3A_89, %mul3A_90 : i32
      %add3A_92 = arith.addi %mul3A_85, %mul3A_91 : i32
      "tpu.region"() ({
        %run_scoped3A = tpu.sem_alloc : memref<!tpu.dma_semaphore, #tpu.memory_space<semaphore_mem>>
        %dma_start3A = tpu.memref_slice %arg2[%add3A_92] : memref<4915200xf32, #tpu.memory_space<hbm>> -> memref<4096xf32, #tpu.memory_space<hbm>>
        %dma_start3A_164 = tpu.memref_slice %arg2[%add3A_92] : memref<4915200xf32, #tpu.memory_space<hbm>> -> memref<4096xf32, #tpu.memory_space<hbm>>
        tpu.enqueue_dma source(%dma_start3A_164 : memref<4096xf32, #tpu.memory_space<hbm>>) target(%arg10 : memref<4096xf32, #tpu.memory_space<vmem>>) target_semaphore(%run_scoped3A : memref<!tpu.dma_semaphore, #tpu.memory_space<semaphore_mem>>)
        %dma_wait3A = tpu.memref_slice %arg2[%add3A_92] : memref<4915200xf32, #tpu.memory_space<hbm>> -> memref<4096xf32, #tpu.memory_space<hbm>>
        %dma_wait3A_165 = tpu.memref_slice %arg2[%add3A_92] : memref<4915200xf32, #tpu.memory_space<hbm>> -> memref<4096xf32, #tpu.memory_space<hbm>>
        tpu.wait_dma2 semaphore(%run_scoped3A : memref<!tpu.dma_semaphore, #tpu.memory_space<semaphore_mem>>) src(%dma_wait3A_165 : memref<4096xf32, #tpu.memory_space<hbm>>) dst(%arg10 : memref<4096xf32, #tpu.memory_space<vmem>>)
        tpu.yield
      }) : () -> ()
      %mul3A_93 = arith.constant 4096 : i32
      %mul3A_94 = arith.muli %min3A_79, %mul3A_93 : i32
      "tpu.region"() ({
        %run_scoped3A = tpu.sem_alloc : memref<!tpu.dma_semaphore, #tpu.memory_space<semaphore_mem>>
        %dma_start3A = tpu.memref_slice %arg5[%mul3A_94] : memref<327680xf32, #tpu.memory_space<hbm>> -> memref<4096xf32, #tpu.memory_space<hbm>>
        %dma_start3A_164 = tpu.memref_slice %arg5[%mul3A_94] : memref<327680xf32, #tpu.memory_space<hbm>> -> memref<4096xf32, #tpu.memory_space<hbm>>
        tpu.enqueue_dma source(%arg10 : memref<4096xf32, #tpu.memory_space<vmem>>) target(%dma_start3A_164 : memref<4096xf32, #tpu.memory_space<hbm>>) target_semaphore(%run_scoped3A : memref<!tpu.dma_semaphore, #tpu.memory_space<semaphore_mem>>)
        %dma_wait3A = tpu.memref_slice %arg5[%mul3A_94] : memref<327680xf32, #tpu.memory_space<hbm>> -> memref<4096xf32, #tpu.memory_space<hbm>>
        %dma_wait3A_165 = tpu.memref_slice %arg5[%mul3A_94] : memref<327680xf32, #tpu.memory_space<hbm>> -> memref<4096xf32, #tpu.memory_space<hbm>>
        tpu.wait_dma2 semaphore(%run_scoped3A : memref<!tpu.dma_semaphore, #tpu.memory_space<semaphore_mem>>) src(%arg10 : memref<4096xf32, #tpu.memory_space<vmem>>) dst(%dma_wait3A_165 : memref<4096xf32, #tpu.memory_space<hbm>>)
        tpu.yield
      }) : () -> ()
      %sub3A_95 = arith.constant 20 : i32
      %sub3A_96 = arith.subi %add3A, %sub3A_95 : i32
      %mul3A_97 = arith.constant 7 : i32
      %mul3A_98 = arith.muli %sub3A_96, %mul3A_97 : i32
      %add3A_99 = arith.constant 4 : i32
      %add3A_100 = arith.addi %mul3A_98, %add3A_99 : i32
      %min3A_101 = arith.constant 79 : i32
      %min3A_102 = arith.minsi %add3A_100, %min3A_101 : i32
      %div3A_103 = arith.constant 5 : i32
      %div3A_104 = arith.divsi %min3A_102, %div3A_103 : i32
      %rem3A_105 = arith.constant 5 : i32
      %rem3A_106 = arith.remsi %min3A_102, %rem3A_105 : i32
      %mul3A_107 = arith.constant 307200 : i32
      %mul3A_108 = arith.muli %div3A_104, %mul3A_107 : i32
      %mul3A_109 = arith.constant 15 : i32
      %mul3A_110 = arith.muli %mul3A_109, %rem3A_106 : i32
      %add3A_111 = arith.constant 6 : i32
      %add3A_112 = arith.addi %mul3A_110, %add3A_111 : i32
      %mul3A_113 = arith.constant 4096 : i32
      %mul3A_114 = arith.muli %add3A_112, %mul3A_113 : i32
      %add3A_115 = arith.addi %mul3A_108, %mul3A_114 : i32
      "tpu.region"() ({
        %run_scoped3A = tpu.sem_alloc : memref<!tpu.dma_semaphore, #tpu.memory_space<semaphore_mem>>
        %dma_start3A = tpu.memref_slice %arg2[%add3A_115] : memref<4915200xf32, #tpu.memory_space<hbm>> -> memref<4096xf32, #tpu.memory_space<hbm>>
        %dma_start3A_164 = tpu.memref_slice %arg2[%add3A_115] : memref<4915200xf32, #tpu.memory_space<hbm>> -> memref<4096xf32, #tpu.memory_space<hbm>>
        tpu.enqueue_dma source(%dma_start3A_164 : memref<4096xf32, #tpu.memory_space<hbm>>) target(%arg10 : memref<4096xf32, #tpu.memory_space<vmem>>) target_semaphore(%run_scoped3A : memref<!tpu.dma_semaphore, #tpu.memory_space<semaphore_mem>>)
        %dma_wait3A = tpu.memref_slice %arg2[%add3A_115] : memref<4915200xf32, #tpu.memory_space<hbm>> -> memref<4096xf32, #tpu.memory_space<hbm>>
        %dma_wait3A_165 = tpu.memref_slice %arg2[%add3A_115] : memref<4915200xf32, #tpu.memory_space<hbm>> -> memref<4096xf32, #tpu.memory_space<hbm>>
        tpu.wait_dma2 semaphore(%run_scoped3A : memref<!tpu.dma_semaphore, #tpu.memory_space<semaphore_mem>>) src(%dma_wait3A_165 : memref<4096xf32, #tpu.memory_space<hbm>>) dst(%arg10 : memref<4096xf32, #tpu.memory_space<vmem>>)
        tpu.yield
      }) : () -> ()
      %mul3A_116 = arith.constant 4096 : i32
      %mul3A_117 = arith.muli %min3A_102, %mul3A_116 : i32
      "tpu.region"() ({
        %run_scoped3A = tpu.sem_alloc : memref<!tpu.dma_semaphore, #tpu.memory_space<semaphore_mem>>
        %dma_start3A = tpu.memref_slice %arg5[%mul3A_117] : memref<327680xf32, #tpu.memory_space<hbm>> -> memref<4096xf32, #tpu.memory_space<hbm>>
        %dma_start3A_164 = tpu.memref_slice %arg5[%mul3A_117] : memref<327680xf32, #tpu.memory_space<hbm>> -> memref<4096xf32, #tpu.memory_space<hbm>>
        tpu.enqueue_dma source(%arg10 : memref<4096xf32, #tpu.memory_space<vmem>>) target(%dma_start3A_164 : memref<4096xf32, #tpu.memory_space<hbm>>) target_semaphore(%run_scoped3A : memref<!tpu.dma_semaphore, #tpu.memory_space<semaphore_mem>>)
        %dma_wait3A = tpu.memref_slice %arg5[%mul3A_117] : memref<327680xf32, #tpu.memory_space<hbm>> -> memref<4096xf32, #tpu.memory_space<hbm>>
        %dma_wait3A_165 = tpu.memref_slice %arg5[%mul3A_117] : memref<327680xf32, #tpu.memory_space<hbm>> -> memref<4096xf32, #tpu.memory_space<hbm>>
        tpu.wait_dma2 semaphore(%run_scoped3A : memref<!tpu.dma_semaphore, #tpu.memory_space<semaphore_mem>>) src(%arg10 : memref<4096xf32, #tpu.memory_space<vmem>>) dst(%dma_wait3A_165 : memref<4096xf32, #tpu.memory_space<hbm>>)
        tpu.yield
      }) : () -> ()
      %sub3A_118 = arith.constant 20 : i32
      %sub3A_119 = arith.subi %add3A, %sub3A_118 : i32
      %mul3A_120 = arith.constant 7 : i32
      %mul3A_121 = arith.muli %sub3A_119, %mul3A_120 : i32
      %add3A_122 = arith.constant 5 : i32
      %add3A_123 = arith.addi %mul3A_121, %add3A_122 : i32
      %min3A_124 = arith.constant 79 : i32
      %min3A_125 = arith.minsi %add3A_123, %min3A_124 : i32
      %div3A_126 = arith.constant 5 : i32
      %div3A_127 = arith.divsi %min3A_125, %div3A_126 : i32
      %rem3A_128 = arith.constant 5 : i32
      %rem3A_129 = arith.remsi %min3A_125, %rem3A_128 : i32
      %mul3A_130 = arith.constant 307200 : i32
      %mul3A_131 = arith.muli %div3A_127, %mul3A_130 : i32
      %mul3A_132 = arith.constant 15 : i32
      %mul3A_133 = arith.muli %mul3A_132, %rem3A_129 : i32
      %add3A_134 = arith.constant 6 : i32
      %add3A_135 = arith.addi %mul3A_133, %add3A_134 : i32
      %mul3A_136 = arith.constant 4096 : i32
      %mul3A_137 = arith.muli %add3A_135, %mul3A_136 : i32
      %add3A_138 = arith.addi %mul3A_131, %mul3A_137 : i32
      "tpu.region"() ({
        %run_scoped3A = tpu.sem_alloc : memref<!tpu.dma_semaphore, #tpu.memory_space<semaphore_mem>>
        %dma_start3A = tpu.memref_slice %arg2[%add3A_138] : memref<4915200xf32, #tpu.memory_space<hbm>> -> memref<4096xf32, #tpu.memory_space<hbm>>
        %dma_start3A_164 = tpu.memref_slice %arg2[%add3A_138] : memref<4915200xf32, #tpu.memory_space<hbm>> -> memref<4096xf32, #tpu.memory_space<hbm>>
        tpu.enqueue_dma source(%dma_start3A_164 : memref<4096xf32, #tpu.memory_space<hbm>>) target(%arg10 : memref<4096xf32, #tpu.memory_space<vmem>>) target_semaphore(%run_scoped3A : memref<!tpu.dma_semaphore, #tpu.memory_space<semaphore_mem>>)
        %dma_wait3A = tpu.memref_slice %arg2[%add3A_138] : memref<4915200xf32, #tpu.memory_space<hbm>> -> memref<4096xf32, #tpu.memory_space<hbm>>
        %dma_wait3A_165 = tpu.memref_slice %arg2[%add3A_138] : memref<4915200xf32, #tpu.memory_space<hbm>> -> memref<4096xf32, #tpu.memory_space<hbm>>
        tpu.wait_dma2 semaphore(%run_scoped3A : memref<!tpu.dma_semaphore, #tpu.memory_space<semaphore_mem>>) src(%dma_wait3A_165 : memref<4096xf32, #tpu.memory_space<hbm>>) dst(%arg10 : memref<4096xf32, #tpu.memory_space<vmem>>)
        tpu.yield
      }) : () -> ()
      %mul3A_139 = arith.constant 4096 : i32
      %mul3A_140 = arith.muli %min3A_125, %mul3A_139 : i32
      "tpu.region"() ({
        %run_scoped3A = tpu.sem_alloc : memref<!tpu.dma_semaphore, #tpu.memory_space<semaphore_mem>>
        %dma_start3A = tpu.memref_slice %arg5[%mul3A_140] : memref<327680xf32, #tpu.memory_space<hbm>> -> memref<4096xf32, #tpu.memory_space<hbm>>
        %dma_start3A_164 = tpu.memref_slice %arg5[%mul3A_140] : memref<327680xf32, #tpu.memory_space<hbm>> -> memref<4096xf32, #tpu.memory_space<hbm>>
        tpu.enqueue_dma source(%arg10 : memref<4096xf32, #tpu.memory_space<vmem>>) target(%dma_start3A_164 : memref<4096xf32, #tpu.memory_space<hbm>>) target_semaphore(%run_scoped3A : memref<!tpu.dma_semaphore, #tpu.memory_space<semaphore_mem>>)
        %dma_wait3A = tpu.memref_slice %arg5[%mul3A_140] : memref<327680xf32, #tpu.memory_space<hbm>> -> memref<4096xf32, #tpu.memory_space<hbm>>
        %dma_wait3A_165 = tpu.memref_slice %arg5[%mul3A_140] : memref<327680xf32, #tpu.memory_space<hbm>> -> memref<4096xf32, #tpu.memory_space<hbm>>
        tpu.wait_dma2 semaphore(%run_scoped3A : memref<!tpu.dma_semaphore, #tpu.memory_space<semaphore_mem>>) src(%arg10 : memref<4096xf32, #tpu.memory_space<vmem>>) dst(%dma_wait3A_165 : memref<4096xf32, #tpu.memory_space<hbm>>)
        tpu.yield
      }) : () -> ()
      %sub3A_141 = arith.constant 20 : i32
      %sub3A_142 = arith.subi %add3A, %sub3A_141 : i32
      %mul3A_143 = arith.constant 7 : i32
      %mul3A_144 = arith.muli %sub3A_142, %mul3A_143 : i32
      %add3A_145 = arith.constant 6 : i32
      %add3A_146 = arith.addi %mul3A_144, %add3A_145 : i32
      %min3A_147 = arith.constant 79 : i32
      %min3A_148 = arith.minsi %add3A_146, %min3A_147 : i32
      %div3A_149 = arith.constant 5 : i32
      %div3A_150 = arith.divsi %min3A_148, %div3A_149 : i32
      %rem3A_151 = arith.constant 5 : i32
      %rem3A_152 = arith.remsi %min3A_148, %rem3A_151 : i32
      %mul3A_153 = arith.constant 307200 : i32
      %mul3A_154 = arith.muli %div3A_150, %mul3A_153 : i32
      %mul3A_155 = arith.constant 15 : i32
      %mul3A_156 = arith.muli %mul3A_155, %rem3A_152 : i32
      %add3A_157 = arith.constant 6 : i32
      %add3A_158 = arith.addi %mul3A_156, %add3A_157 : i32
      %mul3A_159 = arith.constant 4096 : i32
      %mul3A_160 = arith.muli %add3A_158, %mul3A_159 : i32
      %add3A_161 = arith.addi %mul3A_154, %mul3A_160 : i32
      "tpu.region"() ({
        %run_scoped3A = tpu.sem_alloc : memref<!tpu.dma_semaphore, #tpu.memory_space<semaphore_mem>>
        %dma_start3A = tpu.memref_slice %arg2[%add3A_161] : memref<4915200xf32, #tpu.memory_space<hbm>> -> memref<4096xf32, #tpu.memory_space<hbm>>
        %dma_start3A_164 = tpu.memref_slice %arg2[%add3A_161] : memref<4915200xf32, #tpu.memory_space<hbm>> -> memref<4096xf32, #tpu.memory_space<hbm>>
        tpu.enqueue_dma source(%dma_start3A_164 : memref<4096xf32, #tpu.memory_space<hbm>>) target(%arg10 : memref<4096xf32, #tpu.memory_space<vmem>>) target_semaphore(%run_scoped3A : memref<!tpu.dma_semaphore, #tpu.memory_space<semaphore_mem>>)
        %dma_wait3A = tpu.memref_slice %arg2[%add3A_161] : memref<4915200xf32, #tpu.memory_space<hbm>> -> memref<4096xf32, #tpu.memory_space<hbm>>
        %dma_wait3A_165 = tpu.memref_slice %arg2[%add3A_161] : memref<4915200xf32, #tpu.memory_space<hbm>> -> memref<4096xf32, #tpu.memory_space<hbm>>
        tpu.wait_dma2 semaphore(%run_scoped3A : memref<!tpu.dma_semaphore, #tpu.memory_space<semaphore_mem>>) src(%dma_wait3A_165 : memref<4096xf32, #tpu.memory_space<hbm>>) dst(%arg10 : memref<4096xf32, #tpu.memory_space<vmem>>)
        tpu.yield
      }) : () -> ()
      %mul3A_162 = arith.constant 4096 : i32
      %mul3A_163 = arith.muli %min3A_148, %mul3A_162 : i32
      "tpu.region"() ({
        %run_scoped3A = tpu.sem_alloc : memref<!tpu.dma_semaphore, #tpu.memory_space<semaphore_mem>>
        %dma_start3A = tpu.memref_slice %arg5[%mul3A_163] : memref<327680xf32, #tpu.memory_space<hbm>> -> memref<4096xf32, #tpu.memory_space<hbm>>
        %dma_start3A_164 = tpu.memref_slice %arg5[%mul3A_163] : memref<327680xf32, #tpu.memory_space<hbm>> -> memref<4096xf32, #tpu.memory_space<hbm>>
        tpu.enqueue_dma source(%arg10 : memref<4096xf32, #tpu.memory_space<vmem>>) target(%dma_start3A_164 : memref<4096xf32, #tpu.memory_space<hbm>>) target_semaphore(%run_scoped3A : memref<!tpu.dma_semaphore, #tpu.memory_space<semaphore_mem>>)
        %dma_wait3A = tpu.memref_slice %arg5[%mul3A_163] : memref<327680xf32, #tpu.memory_space<hbm>> -> memref<4096xf32, #tpu.memory_space<hbm>>
        %dma_wait3A_165 = tpu.memref_slice %arg5[%mul3A_163] : memref<327680xf32, #tpu.memory_space<hbm>> -> memref<4096xf32, #tpu.memory_space<hbm>>
        tpu.wait_dma2 semaphore(%run_scoped3A : memref<!tpu.dma_semaphore, #tpu.memory_space<semaphore_mem>>) src(%arg10 : memref<4096xf32, #tpu.memory_space<vmem>>) dst(%dma_wait3A_165 : memref<4096xf32, #tpu.memory_space<hbm>>)
        tpu.yield
      }) : () -> ()
    } else {
    }
    return
  }
}

module attributes {stable_mosaic.version = 14 : i64} {
  func.func @_tc_body(%arg0: i32, %arg1: memref<2560x128xf32, #tpu.memory_space<vmem>>, %arg2: memref<16x20x80xf32, #tpu.memory_space<vmem>>, %arg3: memref<16x20x7xf32, #tpu.memory_space<vmem>>, %arg4: memref<1x1xf32, #tpu.memory_space<vmem>>) attributes {dimension_semantics = [#tpu.dimension_semantics<arbitrary>], iteration_bounds = array<i64: 1>, scalar_prefetch = 0 : i64, scratch_operands = 0 : i64, tpu.core_type = #tpu.core_type<tc>, window_params = [{pipeline_mode = #tpu.pipeline_mode<synchronous>, transform_indices = @transform_0, window_bounds = array<i64: 2560, 128>}, {pipeline_mode = #tpu.pipeline_mode<synchronous>, transform_indices = @transform_1, window_bounds = array<i64: 16, 20, 80>}, {pipeline_mode = #tpu.pipeline_mode<synchronous>, transform_indices = @transform_2, window_bounds = array<i64: 16, 20, 7>}, {pipeline_mode = #tpu.pipeline_mode<synchronous>, transform_indices = @transform_3, window_bounds = array<i64: 1, 1>}]} {
    %get3A = arith.constant 0 : index
    %get3A_0 = arith.constant 0 : index
    %get3A_1 = vector.load %arg1[%get3A, %get3A_0] : memref<2560x128xf32, #tpu.memory_space<vmem>>, vector<2560x128xf32>
    %logistic3A = arith.negf %get3A_1 : vector<2560x128xf32>
    %logistic3A_2 = math.exp %logistic3A : vector<2560x128xf32>
    %logistic3A_3 = arith.constant 1.000000e+00 : f32
    %logistic3A_4 = vector.broadcast %logistic3A_3 : f32 to vector<2560x128xf32>
    %logistic3A_5 = arith.addf %logistic3A_4, %logistic3A_2 : vector<2560x128xf32>
    %logistic3A_6 = arith.divf %logistic3A_4, %logistic3A_5 : vector<2560x128xf32>
    %sub3A = arith.constant 1.000000e+00 : f32
    %sub3A_7 = vector.broadcast %sub3A : f32 to vector<2560x128xf32>
    %sub3A_8 = arith.subf %sub3A_7, %logistic3A_6 : vector<2560x128xf32>
    %log3A = math.log %sub3A_8 : vector<2560x128xf32>
    %neg3A = arith.constant 0.000000e+00 : f32
    %neg3A_9 = vector.broadcast %neg3A : f32 to vector<2560x128xf32>
    %neg3A_10 = arith.subf %neg3A_9, %log3A : vector<2560x128xf32>
    %min3A = arith.constant 1.000000e+02 : f32
    %min3A_11 = vector.broadcast %min3A : f32 to vector<2560x128xf32>
    %min3A_12 = arith.minimumf %neg3A_10, %min3A_11 : vector<2560x128xf32>
    %reduce_sum3A = vector.shape_cast %min3A_12 : vector<2560x128xf32> to vector<1x2560x128xf32>
    %reduce_sum3A_13 = arith.constant dense<0.000000e+00> : vector<1xf32>
    %reduce_sum3A_14 = vector.multi_reduction <add>, %reduce_sum3A, %reduce_sum3A_13 [1, 2] : vector<1x2560x128xf32> to vector<1xf32>
    %reduce_sum3A_15 = vector.shape_cast %reduce_sum3A_14 : vector<1xf32> to vector<1x1x1xf32>
    %reduce_sum3A_16 = vector.extract %reduce_sum3A_15[0, 0, 0] : f32 from vector<1x1x1xf32>
    %get3A_17 = arith.constant 0 : index
    %get3A_18 = arith.constant 0 : index
    %get3A_19 = arith.constant 0 : index
    %get3A_20 = vector.load %arg3[%get3A_17, %get3A_18, %get3A_19] : memref<16x20x7xf32, #tpu.memory_space<vmem>>, vector<16x20x7xf32>
    %reduce_sum3A_21 = vector.shape_cast %get3A_20 : vector<16x20x7xf32> to vector<1x16x20x7xf32>
    %reduce_sum3A_22 = arith.constant dense<0.000000e+00> : vector<1xf32>
    %reduce_sum3A_23 = vector.multi_reduction <add>, %reduce_sum3A_21, %reduce_sum3A_22 [1, 2, 3] : vector<1x16x20x7xf32> to vector<1xf32>
    %reduce_sum3A_24 = vector.shape_cast %reduce_sum3A_23 : vector<1xf32> to vector<1x1x1x1xf32>
    %reduce_sum3A_25 = vector.extract %reduce_sum3A_24[0, 0, 0, 0] : f32 from vector<1x1x1x1xf32>
    %add3A = arith.addf %reduce_sum3A_16, %reduce_sum3A_25 : f32
    %get3A_26 = arith.constant 0 : index
    %get3A_27 = arith.constant 0 : index
    %get3A_28 = arith.constant 0 : index
    %get3A_29 = vector.load %arg2[%get3A_26, %get3A_27, %get3A_28] : memref<16x20x80xf32, #tpu.memory_space<vmem>>, vector<16x20x80xf32>
    %reduce_sum3A_30 = vector.shape_cast %get3A_29 : vector<16x20x80xf32> to vector<1x16x20x80xf32>
    %reduce_sum3A_31 = arith.constant dense<0.000000e+00> : vector<1xf32>
    %reduce_sum3A_32 = vector.multi_reduction <add>, %reduce_sum3A_30, %reduce_sum3A_31 [1, 2, 3] : vector<1x16x20x80xf32> to vector<1xf32>
    %reduce_sum3A_33 = vector.shape_cast %reduce_sum3A_32 : vector<1xf32> to vector<1x1x1x1xf32>
    %reduce_sum3A_34 = vector.extract %reduce_sum3A_33[0, 0, 0, 0] : f32 from vector<1x1x1x1xf32>
    %add3A_35 = arith.addf %add3A, %reduce_sum3A_34 : f32
    %broadcast_in_dim3A = vector.broadcast %add3A_35 : f32 to vector<1x1xf32>
    %swap3A = arith.constant 0 : index
    %swap3A_36 = arith.constant 0 : index
    %swap3A_37 = vector.load %arg4[%swap3A, %swap3A_36] : memref<1x1xf32, #tpu.memory_space<vmem>>, vector<1x1xf32>
    tpu.vector_store %arg4[%swap3A, %swap3A_36], %broadcast_in_dim3A {strides = array<i32>} : memref<1x1xf32, #tpu.memory_space<vmem>>, vector<1x1xf32>,
    return
  }
  func.func @transform_0(%arg0: i32) -> (i32, i32) {
    %c0_i32 = arith.constant 0 : i32
    %c0_i32_0 = arith.constant 0 : i32
    %c0_i32_1 = arith.constant 0 : i32
    return %c0_i32, %c0_i32_0 : i32, i32
  }
  func.func @transform_1(%arg0: i32) -> (i32, i32, i32) {
    %c0_i32 = arith.constant 0 : i32
    %c0_i32_0 = arith.constant 0 : i32
    %c0_i32_1 = arith.constant 0 : i32
    %c0_i32_2 = arith.constant 0 : i32
    return %c0_i32, %c0_i32_0, %c0_i32_1 : i32, i32, i32
  }
  func.func @transform_2(%arg0: i32) -> (i32, i32, i32) {
    %c0_i32 = arith.constant 0 : i32
    %c0_i32_0 = arith.constant 0 : i32
    %c0_i32_1 = arith.constant 0 : i32
    %c0_i32_2 = arith.constant 0 : i32
    return %c0_i32, %c0_i32_0, %c0_i32_1 : i32, i32, i32
  }
  func.func @transform_3(%arg0: i32) -> (i32, i32) {
    %c0_i32 = arith.constant 0 : i32
    %c0_i32_0 = arith.constant 0 : i32
    %c0_i32_1 = arith.constant 0 : i32
    return %c0_i32, %c0_i32_0 : i32, i32
  }
}

</mosaic_0001>

<sc_bundles>
// kernel: kernel.4.cloned.1.call-start
scs
__scs_entry_jumppad:
0x0: {  	(pc) =	sbr.rel $0x88, $3  }
0x1: {  	(tag) =	ssettag $0x0;
	lr =	simm.s32 $0x1  }
0x2: {  	[smem:$0x3F9F] =	sst lr;
	_ =	strace $0xD0000000  }
0x3: {  	_ = 	snop  }
0x4: {  	_ = 	snop  }
0x5: {  	_ = 	snop  }
0x6: {  	_ = 	snop  }
0x7: {  	_ = 	snop  }
__scs_overlays_trampoline_lowered:
0x8: {  	[smem:$0x3FAE] =	sst s0  }
0x9: {  	[smem:$0x3FAF] =	sst s1  }
0xa: {  	[smem:$0x3FB0] =	sst s2  }
0xb: {  	[smem:$0x3FB1] =	sst s3  }
0xc: {  	[smem:$0x3FB2] =	sst s4  }
0xd: {  	[smem:$0x3FB3] =	sst s5  }
0xe: {  	[smem:$0x3FB4] =	sst s6  }
0xf: {  	[smem:$0x3FB5] =	sst s7  }
0x10: {  	[smem:$0x3FB6] =	sst s8  }
0x11: {  	[smem:$0x3FB7] =	sst s9;
	s0 =	simm.s32 @!p0 $0x0  }
0x12: {  	s1 =	sld [smem:$0x3F9D];
	s0 =	simm.s32 @p0 $0x1  }
0x13: {  	[smem:$0x3FB8] =	sst s0;
	s0 =	simm.s32 @!p1 $0x0  }
0x14: {  	s2 =	sld [smem:$0x3F9C];
	s0 =	simm.s32 @p1 $0x1  }
0x15: {  	[smem:$0x3FB9] =	sst s0;
	s0 =	simm.s32 @!p2 $0x0  }
0x16: {  	s3 =	sld [smem:$0x3FDB];
	s0 =	simm.s32 @p2 $0x1  }
0x17: {  	s4 =	simm.s32 $0x1BF5;
	[smem:$0x3FBB] =	sst s0  }
0x18: {  	s0 =	sld [smem:$0x3F9E];
	_ =	swait.ge [sflag:s4], $0x0  }
0x19: {  	s7 =	sld [smem:$0x3F9F]  }
0x1a: {  	s8 =	sadd.s32 $0xFFFFE003, lr  }
0x1b: {  	s9 =	sadd.s32 $0xFFFFFEF7, lr;
	s5 =	simm.s32 $0xFFFFFFFF;
	p2 =	slt.u32 s8, $0xFFFFF086  }
0x1c: {  	p1 =	slt.u32 s9, $0xF7A;
	s5 =	simm.s32 @!p2 $0x0  }
0x1d: {  	s5 =	simm.s32 @p1 $0x1;
	p0 =	seq.s32 s7, s2  }
0x1e: {  	s7 =	smul.u32 @!p0 $0xF7A, s2;
	p2 =	seq.s32 @!p0 s5, $0x0  }
0x1f: {  	s9 =	smul.u32 $0xF7A, s1;
	s8 =	simm.s32 @!p0 $0x1BF5;
	p2 =	por !p2, p0  }
0x20: {  	[sflag:s8] =	ssyncset.s32 @!p0 $0xFFFFF086;
	s6 =	sadd.s32 @!p0 s3, s7;
	s7 =	simm.s32 @!p0 $0x108  }
0x21: {  	s3 =	sadd.s32 s3, s9;
	s6 =	sadd.s32 @!p0 $0x88, s6;
	s7 =	simm.s32 @p2 $0x1082  }
0x22: {  	[simem:s7], [sflag:s8] =	dma.local @!p0 [hbm:s6], $0xF7A  }
0x23: {  	s9 =	sor.u32 $0xD0000000, s2;
	s6 =	simm.s32 $0x108;
	_ =	swait.ge @!p0 [sflag:s8], $0x0  }
0x24: {  	s3 =	sadd.s32 $0x88, s3;
	s6 =	simm.s32 @!p1 $0x1082;
	[sflag:s4] =	ssyncset.s32 $0xFFFFF086  }
0x25: {  	[simem:s6], [sflag:s4] =	dma.local [hbm:s3], $0xF7A  }
0x26: {  	[smem:$0x3F9F] =	sst s1;
	(tag) =	ssettag s2;
	_ =	strace s9  }
0x27: {  	s1 =	sld [smem:$0x3FAF]  }
0x28: {  	s2 =	sld [smem:$0x3FB0]  }
0x29: {  	s4 =	sld [smem:$0x3FB2]  }
0x2a: {  	p0 =	seq.s32 s5, $0x0;
	s5 =	sld [smem:$0x3FB3]  }
0x2b: {  	s6 =	sld [smem:$0x3FB4]  }
0x2c: {  	s7 =	sld [smem:$0x3FB5]  }
0x2d: {  	s3 =	simm.s32 $0x108;
	s8 =	sld [smem:$0x3FB6]  }
0x2e: {  	s3 =	simm.s32 @!p0 $0x1082;
	s9 =	sld [smem:$0x3FB7]  }
0x2f: {  	lr =	sadd.s32 s0, s3;
	s0 =	sld [smem:$0x3FAE]  }
0x30: {  	s3 =	sld [smem:$0x3FB1]  }
0x31: {  	[smem:$0x3FBA] =	sst s10  }
0x32: {  	s10 =	sld [smem:$0x3FB8];
	_ =	sdelay $0x3  }
0x33: {  	p0 =	seq.s32 s10, $0x1;
	s10 =	sld [smem:$0x3FBA];
	_ =	sdelay $0x3  }
0x34: {  	[smem:$0x3FBA] =	sst s10  }
0x35: {  	s10 =	sld [smem:$0x3FB9];
	_ =	sdelay $0x3  }
0x36: {  	p1 =	seq.s32 s10, $0x1;
	s10 =	sld [smem:$0x3FBA];
	_ =	sdelay $0x3  }
0x37: {  	[smem:$0x3FBA] =	sst s10  }
0x38: {  	s10 =	sld [smem:$0x3FBB]  }
0x39: {  	_ = 	snop;
	(pc) =	sbr.ind lr, $3  }
0x3a: {  	_ = 	snop  }
0x3b: {  	_ = 	snop  }
0x3c: {  	p2 =	seq.s32 s10, $0x1;
	s10 =	sld [smem:$0x3FBA]  }
0x3d: {  	_ =	shalt  }
0x3e: {  	_ =	shalt  }
0x3f: {  	_ =	shalt  }
0x40: {  	_ =	shalt  }
0x41: {  	_ =	shalt  }
0x42: {  	_ =	shalt  }
0x43: {  	_ =	shalt  }
0x44: {  	_ =	shalt  }
0x45: {  	_ =	shalt  }
0x46: {  	_ =	shalt  }
0x47: {  	_ =	shalt  }
0x48: {  	_ =	shalt  }
0x49: {  	_ =	shalt  }
0x4a: {  	_ =	shalt  }
0x4b: {  	_ =	shalt  }
0x4c: {  	_ =	shalt  }
0x4d: {  	_ =	shalt  }
0x4e: {  	_ =	shalt  }
0x4f: {  	_ =	shalt  }
0x50: {  	_ =	shalt  }
0x51: {  	_ =	shalt  }
0x52: {  	_ =	shalt  }
0x53: {  	_ =	shalt  }
0x54: {  	_ =	shalt  }
0x55: {  	_ =	shalt  }
0x56: {  	_ =	shalt  }
0x57: {  	_ =	shalt  }
0x58: {  	_ =	shalt  }
0x59: {  	_ =	shalt  }
0x5a: {  	_ =	shalt  }
0x5b: {  	_ =	shalt  }
0x5c: {  	_ =	shalt  }
0x5d: {  	_ =	shalt  }
0x5e: {  	_ =	shalt  }
0x5f: {  	_ =	shalt  }
0x60: {  	_ =	shalt  }
0x61: {  	_ =	shalt  }
0x62: {  	_ =	shalt  }
0x63: {  	_ =	shalt  }
0x64: {  	_ =	shalt  }
0x65: {  	_ =	shalt  }
0x66: {  	_ =	shalt  }
0x67: {  	_ =	shalt  }
0x68: {  	_ =	shalt  }
0x69: {  	_ =	shalt  }
0x6a: {  	_ =	shalt  }
0x6b: {  	_ =	shalt  }
0x6c: {  	_ =	shalt  }
0x6d: {  	_ =	shalt  }
0x6e: {  	_ =	shalt  }
0x6f: {  	_ =	shalt  }
0x70: {  	_ =	shalt  }
0x71: {  	_ =	shalt  }
0x72: {  	_ =	shalt  }
0x73: {  	_ =	shalt  }
0x74: {  	_ =	shalt  }
0x75: {  	_ =	shalt  }
0x76: {  	_ =	shalt  }
0x77: {  	_ =	shalt  }
0x78: {  	_ =	shalt  }
0x79: {  	_ =	shalt  }
0x7a: {  	_ =	shalt  }
0x7b: {  	_ =	shalt  }
0x7c: {  	_ =	shalt  }
0x7d: {  	_ =	shalt  }
0x7e: {  	_ =	shalt  }
0x7f: {  	_ =	shalt  }
0x80: {  	_ =	shalt  }
0x81: {  	_ =	shalt  }
0x82: {  	_ =	shalt  }
0x83: {  	_ =	shalt  }
0x84: {  	_ =	shalt  }
0x85: {  	_ =	shalt  }
0x86: {  	_ =	shalt  }
0x87: {  	_ =	shalt  }
.Lfunc_end0:
.L_simem_size_0:
called_computation_lowered:
.L_overlay_start_0:
0x88: {  	s2 =	sld [smem:$0x3FD9]  }
0x89: {  	s3 =	sld [smem:$0x3FFE];
	_ =	sdelay $0x1  }
0x8a: {  	s1 =	srdreg.scid  }
0x8b: {  	s0 =	sand.u32 $0x1, s1  }
0x8c: {  	s16 =	sshll.u32 s0, $0xA;
	s2 =	sadd.s32 s3, s2  }
0x8d: {  	s2 =	sadd.s32 s2, s16  }
0x8e: {  	[smem:$0x3FC6] =	sst s2  }
0x8f: {  	_ = 	snop  }
0x90: {  	(tm) =	ssettm $0x1  }
0x91: {  	s17 =	sld [smem:$0x3FFB];
	_ =	sdelay $0x3  }
0x92: {  	_ =	strace s17  }
0x93: {  	s2 =	sld [smem:$0x3FFC];
	_ =	sdelay $0x3  }
0x94: {  	_ =	strace s2  }
0x95: {  	s2 =	sld [smem:$0x3FFD];
	_ =	sdelay $0x3  }
0x96: {  	_ =	strace s2  }
0x97: {  	_ =	strace $0x8FFFFFFF  }
0x98: {  	s18 =	sld [smem:$0x3FDB];
	_ =	sdelay $0x1  }
0x99: {  	s19 =	simm.s32 $_scs_section_size  }
0x9a: {  	s4 =	simm.s32 $_size__tile_overlayer_lowered;
	s5 =	simm.s32 $_tile_overlayer_lowered  }
0x9b: {  	s22 =	simm.s32 $0x1BFF;
	s21 =	sshll.u32 s5, $0x1;
	s2 =	sadd.s32 s19, s18  }
0x9c: {  	s6 =	simm.s32 $0x0;
	s20 =	sshll.u32 s4, $0x1;
	s4 =	sadd.s32 s21, s2  }
0x9d: {  	[timem:s6], [sflag:s22] =	dma.local [hbm:s4], s20  }
0x9e: {  	_ =	swait.ge [sflag:s22], s20  }
0x9f: {  	s3 =	ssub.s32 $0x0, s20;
	[sflag:s22] =	ssyncset.done $0x0  }
0xa0: {  	[sflag:s22] =	ssyncadd.s32 s3;
	_ =	sdelay $0x1  }
0xa1: {  	s23 =	simm.s32 $0x1B8B  }
0xa2: {  	_ =	swait.ge [sflag:s23], $0x1  }
0xa3: {  	[sflag:s23] =	ssyncset.done $0x0  }
0xa4: {  	s25 =	simm.s32 $0x1B8E;
	s24 =	sld [smem:$0x3FFE];
	[sflag:s23] =	ssyncadd.s32 $0xFFFFFFFF  }
0xa5: {  	s26 =	simm.s32 $execute0_lowered;
	[smem:$0x3FD2] =	sst s25  }
0xa6: {  	s4 =	sshll.u32 s26, $0x1;
	_ =	strace $0x80000046;
	[dreg:$0x1] =	wrdreg $0xFFFFFFFF  }
0xa7: {  	s28 =	simm.s32 $_size_execute0_lowered;
	s2 =	sadd.s32 s2, s4;
	[dreg:$0x0] =	wrdreg $0x0  }
0xa8: {  	s4 =	sshll.u32 s28, $0x1;
	[dreg:$0x2] =	wrdreg s2  }
0xa9: {  	[dreg:$0x3] =	wrdreg s4  }
0xaa: {  	[dreg:$0x4] =	wrdreg $0xC0  }
0xab: {  	_ =	task [dreg:s6], $0x5FFFF  }
0xac: {  	[dreg:$0x1] =	wrdreg $0xFFFFFFFF  }
0xad: {  	[dreg:$0x0] =	wrdreg $0x60  }
0xae: {  	[dreg:$0x2] =	wrdreg s24  }
0xaf: {  	[dreg:$0x3] =	wrdreg $0x9  }
0xb0: {  	_ =	task.clear_ibuf [dreg:s6], $0x4FFFF;
	_ =	strace $0x90000046  }
0xb1: {  	s29 =	simm.s32 $0x9;
	_ =	strace $0x80000048  }
0xb2: {  	_ =	swait.ge [sflag:s29], $0x1  }
0xb3: {  	[sflag:s29] =	ssyncadd.s32 $0xFFFFFFFF  }
0xb4: {  	_ =	strace $0x90000048  }
0xb5: {  	_ =	sfence  }
0xb6: {  	s30 =	sld [smem:$0x0];
	_ =	sdelay $0x2  }
0xb7: {  	s31 =	sshll.u32 s1, $0xD;
	s1 =	sshrl.u32 s1, $0x2  }
0xb8: {  	s3 =	sand.u32 $0x4000, s31;
	s1 =	sadd.s32 s1, s30  }
0xb9: {  	s0 =	sor.u32 s3, s0;
	s1 =	sshll.u32 s1, $0x11  }
0xba: {  	s0 =	sor.u32 s1, s0  }
0xbb: {  	s0 =	sadd.s32 $0x8F2B, s0  }
0xbc: {  	[sflag:s0] =	ssyncadd.remote.s32 $0x1  }
0xbd: {  	_ =	sfence.sel $0xFFFF  }
0xbe: {  	[dreg:$0x0] =	wrdreg $0xFFFFFFFF;
	(pc) =	sbr.abs _section_cstart, $3  }
0xbf: {  	[dreg:$0x1] =	wrdreg $0xFFFFFFFF  }
0xc0: {  	_ =	task.clear_ibuf [dreg:s6], $0x2FFFF;
	_ =	strace $0x9FFFFFFF  }
0xc1: {  	(tm) =	ssettm $0x7FFFFFFF  }
tec
execute0_lowered:
.L_overlay_start_1:
0x0: {  	(tag) =	ssettag $0x1  }
0x1: {  	s0 =	srdreg.scid;
	s25 =	stileid.u32  }
0x2: {  	s4 =	sand.u32 $0x1, s0;
	s19 =	sshll.u32 s25, $0x1  }
0x3: {  	s0 =	sor.u32 s4, s19  }
0x4: {  	s6 =	rddreg [dreg:$0x0];
	s10 =	smul.u32 $0x7, s0  }
0x5: {  	s2 =	simm.s32 $0x0;
	s30 =	simm.s32 $0x560;
	s31 =	simm.s32 $0xA60  }
0x6: {  	[smem:$0x7FF] =	sst s2;
	s17 =	sadd.s32 $0x1C00, s6;
	s5 =	sadd.s32 $0xFFFFFF74, s10  }
0x7: {  	p0 =	sgt.u32 s25, $0x9;
	s25 =	simm.s32 $0xB00;
	s1 =	smulhi.u32 $0xCCCCCCCD, s5  }
0x8: {  	s4 =	ssub.s32 $0x2, s4;
	s7 =	smul.u32 $0xA0, s0;
	s11 =	sadd.s32 $0xFFFFFF75, s10  }
0x9: {  	s21 =	sshrl.u32 s4, $0x1;
	s12 =	smulhi.u32 $0xCCCCCCCD, s11;
	s1 =	sshrl.u32 s1, $0x2  }
0xa: {  	_ =	strace $0x80000047;
	s21 =	ssub.s32 s4, s21;
	s3 =	smul.u32 $0x5, s1  }
0xb: {  	s16 =	smin.u32 s10, $0xD8;
	s23 =	sshrl.u32 s12, $0x2;
	s8 =	smul.u32 $0x4B000, s1  }
0xc: {  	s21 =	smax.u32 s21, $0x1;
	s12 =	sadd.s32 $0xFFFFFF76, s10;
	s24 =	smul.u32 $0x5, s23  }
0xd: {  	s14 =	sadd.s32 $0xFFFFFF77, s16;
	s1 =	sadd.s32 $0xC00, s6;
	s28 =	smulhi.u32 $0xCCCCCCCD, s12  }
0xe: {  	s29 =	smul.u32 $0x4B000, s23;
	s20 =	ssub.s32 s5, s3;
	s3 =	sadd.s32 $0x12CC00, s6  }
0xf: {  	s9 =	smul.u32 $0xF000, s20;
	s20 =	sadd.s32 s7, s6;
	s6 =	sshrl.u32 s28, $0x2  }
0x10: {  	s23 =	sshll.u32 s11, $0x9;
	s5 =	sshll.u32 s5, $0x9;
	s13 =	smul.u32 $0x5, s6  }
0x11: {  	s15 =	ssub.s32 s11, s24;
	s5 =	sand.u32 $0x1FFFFE00, s5;
	s18 =	smul.u32 $0x4B000, s6  }
0x12: {  	s5 =	sadd.s32 s17, s5;
	s22 =	sadd.s32 s8, s9;
	s8 =	smul.u32 $0xF000, s15  }
0x13: {  	s20 =	sadd.s32 $0xE00, s20;
	s9 =	smulhi.u32 $0xCCCCCCCD, s14;
	s7 =	sshrl.u32 s22, $0x3  }
0x14: {  	s19 =	ssub.s32 s12, s13;
	s12 =	sshll.u32 s12, $0x9;
	s26 =	sadd.s32 s3, s7  }
0x15: {  	s7 =	sadd.s32 s29, s8;
	s13 =	smul.u32 $0xF000, s19;
	s9 =	sshrl.u32 s9, $0x2  }
0x16: {  	s29 =	smin.u32 s10, $0xD7;
	s4 =	sadd.s32 $0xC00, s26;
	s24 =	smul.u32 $0x5, s9  }
0x17: {  	s7 =	sshrl.u32 s7, $0x3;
	s26 =	smul.u32 $0x4B000, s9;
	s16 =	sadd.s32 $0xFFFFFF78, s29  }
0x18: {  	s9 =	sand.u32 $0x1FFFFE00, s12;
	s22 =	sadd.s32 s3, s7;
	s7 =	sand.u32 $0x1FFFFE00, s23  }
0x19: {  	s8 =	sadd.s32 s18, s13;
	s11 =	smulhi.u32 $0xCCCCCCCD, s16;
	s9 =	sadd.s32 s17, s9  }
0x1a: {  	s6 =	sadd.s32 $0xC00, s22;
	s28 =	ssub.s32 s14, s24;
	s8 =	sshrl.u32 s8, $0x3  }
0x1b: {  	s7 =	sadd.s32 s17, s7;
	s22 =	smin.u32 s10, $0xD6;
	s15 =	smul.u32 $0xF000, s28  }
0x1c: {  	s24 =	sshll.u32 s14, $0x9;
	s8 =	sadd.s32 s3, s8;
	s11 =	sshrl.u32 s11, $0x2  }
0x1d: {  	s8 =	sadd.s32 $0xC00, s8;
	s19 =	smul.u32 $0x5, s11;
	s18 =	sadd.s32 s26, s15  }
0x1e: {  	s11 =	smul.u32 $0x4B000, s11;
	s15 =	sadd.s32 $0xFFFFFF79, s22;
	s12 =	sshrl.u32 s18, $0x3  }
0x1f: {  	s13 =	ssub.s32 s16, s19;
	s18 =	smulhi.u32 $0xCCCCCCCD, s15;
	s19 =	smin.u32 s10, $0xD5  }
0x20: {  	s16 =	sshll.u32 s16, $0x9;
	s23 =	smul.u32 $0xF000, s13;
	s19 =	sadd.s32 $0xFFFFFF7A, s19  }
0x21: {  	s12 =	sadd.s32 s3, s12;
	s26 =	sshrl.u32 s18, $0x2;
	s28 =	smulhi.u32 $0xCCCCCCCD, s19  }
0x22: {  	s13 =	sand.u32 $0x1FFFFE00, s24;
	s16 =	sand.u32 $0x1FFFFE00, s16;
	s29 =	smul.u32 $0x5, s26  }
0x23: {  	s10 =	sadd.s32 $0xC00, s12;
	s11 =	sadd.s32 s11, s23;
	s14 =	smul.u32 $0x4B000, s26  }
0x24: {  	s26 =	sshll.u32 s19, $0x9;
	s11 =	sshrl.u32 s11, $0x3;
	s18 =	sshrl.u32 s28, $0x2  }
0x25: {  	s28 =	sshll.u32 s0, $0x4;
	s0 =	sshll.u32 s0, $0x1;
	s22 =	sadd.s32 s3, s11  }
0x26: {  	s23 =	ssub.s32 s15, s29;
	s24 =	smul.u32 $0x5, s18;
	s11 =	sadd.s32 s17, s13  }
0x27: {  	s18 =	smul.u32 $0x4B000, s18;
	s13 =	sadd.s32 s17, s16;
	s15 =	sshll.u32 s15, $0x9  }
0x28: {  	s12 =	sadd.s32 $0xC00, s22;
	s22 =	smul.u32 $0xF000, s23;
	s15 =	sand.u32 $0x1FFFFE00, s15  }
0x29: {  	s29 =	sshrl.u32 s28, $0x3;
	s23 =	ssub.s32 s19, s24;
	s15 =	sadd.s32 s17, s15  }
0x2a: {  	s19 =	sadd.s32 s1, s29;
	s14 =	sadd.s32 s14, s22;
	s22 =	smul.u32 $0xF000, s23  }
0x2b: {  	v0 =	vlaneseq.u32;
	s19 =	sadd.s32 $0x28, s19;
	s23 =	simm.s32 $0x1;
	s14 =	sshrl.u32 s14, $0x3  }
.Ltmp0:
0x2c: {  	v0 =	vor.u32 s28, v0;
	s14 =	sadd.s32 s3, s14;
	s24 =	sadd.s32 s18, s22;
	(pc) =	sbr.rel .LBB2_1-.Ltmp0, $4  }
0x2d: {  	v0 =	vmulhi.u32 $0x66666667, v0;
	s18 =	sand.u32 $0x1FFFFE00, s26;
	s22 =	simm.s32 $0x2;
	s26 =	simm.s32 $0x600  }
0x2e: {  	s14 =	sadd.s32 $0xC00, s14;
	s16 =	sshrl.u32 s24, $0x3;
	s17 =	sadd.s32 s17, s18  }
0x2f: {  	v0 =	vshrl.u32 v0, $0x3;
	s18 =	sadd.s32 s1, s0;
	s24 =	simm.s32 $0x50;
	s16 =	sadd.s32 s3, s16  }
0x30: {  	v1 =	vimm.s32 $0x0;
	v0 =	vmul.u32 $0x4B000, v0;
	s1 =	simm.s32 $0x5B0;
	s0 =	simm.s32 $0xAB0;
	s16 =	sadd.s32 $0xC00, s16  }
.LBB2_3:
0x31: {  	[tilespmem:s25], [sflag:$0x2] =	stream.linear.gather [hbm4b:s4+s2], $0x1000, $0x38;
	[tilespmem:$0x1B00] =	vst v63  }
0x32: {  	_ =	swait.ge [sflag:s22], $0x1000  }
0x33: {  	[sflag:s22] =	ssyncset.done $0x0  }
0x34: {  	[sflag:s22] =	ssyncadd.s32 $0xFFFFF000  }
0x35: {  	[hbm4b:s5+s2] =	stream.linear.scatter [tilespmem:s25], [sflag:$0x2], $0x1000, $0x38;
	[tilespmem:$0x1B00] =	vst v63  }
0x36: {  	_ =	swait.ge [sflag:s22], $0x1000  }
0x37: {  	[sflag:s22] =	ssyncset.done $0x0  }
0x38: {  	[sflag:s22] =	ssyncadd.s32 $0xFFFFF000  }
0x39: {  	[tilespmem:s25], [sflag:$0x2] =	stream.linear.gather [hbm4b:s6+s2], $0x1000, $0x38;
	[tilespmem:$0x1B00] =	vst v63  }
0x3a: {  	_ =	swait.ge [sflag:s22], $0x1000  }
0x3b: {  	[sflag:s22] =	ssyncset.done $0x0  }
0x3c: {  	[sflag:s22] =	ssyncadd.s32 $0xFFFFF000  }
0x3d: {  	[hbm4b:s7+s2] =	stream.linear.scatter [tilespmem:s25], [sflag:$0x2], $0x1000, $0x38;
	[tilespmem:$0x1B00] =	vst v63  }
0x3e: {  	_ =	swait.ge [sflag:s22], $0x1000  }
0x3f: {  	[sflag:s22] =	ssyncset.done $0x0  }
0x40: {  	[sflag:s22] =	ssyncadd.s32 $0xFFFFF000  }
0x41: {  	[tilespmem:s25], [sflag:$0x2] =	stream.linear.gather [hbm4b:s8+s2], $0x1000, $0x38;
	[tilespmem:$0x1B00] =	vst v63  }
0x42: {  	_ =	swait.ge [sflag:s22], $0x1000  }
0x43: {  	[sflag:s22] =	ssyncset.done $0x0  }
0x44: {  	[sflag:s22] =	ssyncadd.s32 $0xFFFFF000  }
0x45: {  	[hbm4b:s9+s2] =	stream.linear.scatter [tilespmem:s25], [sflag:$0x2], $0x1000, $0x38;
	[tilespmem:$0x1B00] =	vst v63  }
0x46: {  	_ =	swait.ge [sflag:s22], $0x1000  }
0x47: {  	[sflag:s22] =	ssyncset.done $0x0  }
0x48: {  	[sflag:s22] =	ssyncadd.s32 $0xFFFFF000  }
0x49: {  	[tilespmem:s25], [sflag:$0x2] =	stream.linear.gather [hbm4b:s10+s2], $0x1000, $0x38;
	[tilespmem:$0x1B00] =	vst v63  }
0x4a: {  	_ =	swait.ge [sflag:s22], $0x1000  }
0x4b: {  	[sflag:s22] =	ssyncset.done $0x0  }
0x4c: {  	[sflag:s22] =	ssyncadd.s32 $0xFFFFF000  }
0x4d: {  	[hbm4b:s11+s2] =	stream.linear.scatter [tilespmem:s25], [sflag:$0x2], $0x1000, $0x38;
	[tilespmem:$0x1B00] =	vst v63  }
0x4e: {  	_ =	swait.ge [sflag:s22], $0x1000  }
0x4f: {  	[sflag:s22] =	ssyncset.done $0x0  }
0x50: {  	[sflag:s22] =	ssyncadd.s32 $0xFFFFF000  }
0x51: {  	[tilespmem:s25], [sflag:$0x2] =	stream.linear.gather [hbm4b:s12+s2], $0x1000, $0x38;
	[tilespmem:$0x1B00] =	vst v63  }
0x52: {  	_ =	swait.ge [sflag:s22], $0x1000  }
0x53: {  	[sflag:s22] =	ssyncset.done $0x0  }
0x54: {  	[sflag:s22] =	ssyncadd.s32 $0xFFFFF000  }
0x55: {  	[hbm4b:s13+s2] =	stream.linear.scatter [tilespmem:s25], [sflag:$0x2], $0x1000, $0x38;
	[tilespmem:$0x1B00] =	vst v63  }
0x56: {  	_ =	swait.ge [sflag:s22], $0x1000  }
0x57: {  	[sflag:s22] =	ssyncset.done $0x0  }
0x58: {  	[sflag:s22] =	ssyncadd.s32 $0xFFFFF000  }
0x59: {  	[tilespmem:s25], [sflag:$0x2] =	stream.linear.gather [hbm4b:s14+s2], $0x1000, $0x38;
	[tilespmem:$0x1B00] =	vst v63  }
0x5a: {  	_ =	swait.ge [sflag:s22], $0x1000  }
0x5b: {  	[sflag:s22] =	ssyncset.done $0x0  }
0x5c: {  	[sflag:s22] =	ssyncadd.s32 $0xFFFFF000  }
0x5d: {  	[hbm4b:s15+s2] =	stream.linear.scatter [tilespmem:s25], [sflag:$0x2], $0x1000, $0x38;
	[tilespmem:$0x1B00] =	vst v63  }
0x5e: {  	_ =	swait.ge [sflag:s22], $0x1000  }
0x5f: {  	[sflag:s22] =	ssyncset.done $0x0  }
0x60: {  	[sflag:s22] =	ssyncadd.s32 $0xFFFFF000  }
0x61: {  	[tilespmem:s25], [sflag:$0x2] =	stream.linear.gather [hbm4b:s16+s2], $0x1000, $0x38;
	[tilespmem:$0x1B00] =	vst v63  }
0x62: {  	_ =	swait.ge [sflag:s22], $0x1000  }
0x63: {  	[sflag:s22] =	ssyncset.done $0x0  }
0x64: {  	[sflag:s22] =	ssyncadd.s32 $0xFFFFF000  }
0x65: {  	[hbm4b:s17+s2] =	stream.linear.scatter [tilespmem:s25], [sflag:$0x2], $0x1000, $0x38;
	[tilespmem:$0x1B00] =	vst v63  }
0x66: {  	_ =	swait.ge [sflag:s22], $0x1000  }
0x67: {  	[sflag:s22] =	ssyncset.done $0x0  }
0x68: {  	[sflag:s22] =	ssyncadd.s32 $0xFFFFF000  }
.LBB2_4:
0x69: {  	s21 =	sadd.s32 $0xFFFFFFFF, s21  }
0x6a: {  	p1 =	sne.s32 s21, $0x0  }
.Ltmp1:
0x6b: {  	_ = 	snop;
	(pc) =	sbr.rel @!p1 .LBB2_5-.Ltmp1, $1  }
0x6c: {  	_ =	sdelay $0x3  }
.LBB2_1:
.Ltmp2:
0x6d: {  	(pc) =	sbr.rel @p0 .LBB2_3-.Ltmp2, $1  }
0x6e: {  	_ =	sdelay $0x3  }
0x6f: {  	[tilespmem:s2], [sflag:$0x2] =	stream.linear.gather [hbm4b:s18+s2], $0x10, $0x38;
	[tilespmem:$0x1B00] =	vst v63  }
0x70: {  	_ =	swait.ge [sflag:s22], $0x10  }
0x71: {  	[sflag:s22] =	ssyncset.done $0x0  }
0x72: {  	s28 =	simm.s32 $0x80;
	[sflag:s22] =	ssyncadd.s32 $0xFFFFFFF0  }
0x73: {  	[tilespmem:s28], [sflag:$0x2] =	stream.linear.gather [hbm4b:s19+s2], $0x10, $0x38;
	[tilespmem:$0x1B00] =	vst v63  }
0x74: {  	_ =	swait.ge [sflag:s22], $0x10  }
0x75: {  	[sflag:s22] =	ssyncset.done $0x0  }
0x76: {  	[sflag:s22] =	ssyncadd.s32 $0xFFFFFFF0  }
0x77: {  	v2 =	vld [tilespmem:$0x0]  }
0x78: {  	v3 =	vld [tilespmem:$0x80];
	_ =	sdelay $0x4  }
0x79: {  	v2 =	vmul.f32 $6.400000000e+01, v2;
	v3 =	vmul.f32 $6.400000000e+01, v3;
	_ =	sdelay $0x1  }
0x7a: {  	[tilespmem:$0x5B0] =	vst v1;
	v2 =	vtrunc.f32 v2;
	v3 =	vtrunc.f32 v3  }
0x7b: {  	[tilespmem:$0x5C0] =	vst v1;
	v2 =	vcvt.f32.s32 v2;
	v3 =	vcvt.f32.s32 v3  }
0x7c: {  	[tilespmem:$0x5D0] =	vst v1  }
0x7d: {  	[tilespmem:$0x5E0] =	vst v1;
	v2 =	vshll.u32 v2, $0x6;
	v3 =	vadd.s32 v3, v0  }
0x7e: {  	[tilespmem:$0x5F0] =	vst v1;
	v2 =	vadd.s32 v2, v3  }
0x7f: {  	[tilespmem:$0x100] =	vst v2;
	v3 =	vadd.s32 $0x1000, v2  }
0x80: {  	[tilespmem:$0x110] =	vst v3;
	v3 =	vadd.s32 $0x2000, v2  }
0x81: {  	[tilespmem:$0x120] =	vst v3;
	v3 =	vadd.s32 $0x3000, v2  }
0x82: {  	[tilespmem:$0x130] =	vst v3;
	v3 =	vadd.s32 $0x4000, v2  }
0x83: {  	[tilespmem:$0x140] =	vst v3;
	v3 =	vadd.s32 $0x5000, v2  }
0x84: {  	[tilespmem:$0x150] =	vst v3;
	v3 =	vadd.s32 $0x6000, v2  }
0x85: {  	[tilespmem:$0x160] =	vst v3;
	v3 =	vadd.s32 $0x7000, v2  }
0x86: {  	[tilespmem:$0x170] =	vst v3;
	v3 =	vadd.s32 $0x8000, v2  }
0x87: {  	[tilespmem:$0x180] =	vst v3;
	v3 =	vadd.s32 $0x9000, v2  }
0x88: {  	[tilespmem:$0x190] =	vst v3;
	v3 =	vadd.s32 $0xA000, v2  }
0x89: {  	[tilespmem:$0x1A0] =	vst v3;
	v3 =	vadd.s32 $0xB000, v2  }
0x8a: {  	[tilespmem:$0x1B0] =	vst v3;
	v3 =	vadd.s32 $0xC000, v2  }
0x8b: {  	[tilespmem:$0x1C0] =	vst v3;
	v3 =	vadd.s32 $0xD000, v2  }
0x8c: {  	[tilespmem:$0x1D0] =	vst v3;
	v3 =	vadd.s32 $0xE000, v2  }
0x8d: {  	[tilespmem:$0x1E0] =	vst v3;
	v3 =	vadd.s32 $0xF000, v2  }
0x8e: {  	[tilespmem:$0x1F0] =	vst v3;
	v3 =	vadd.s32 $0x10000, v2  }
0x8f: {  	[tilespmem:$0x200] =	vst v3;
	v3 =	vadd.s32 $0x11000, v2  }
0x90: {  	[tilespmem:$0x210] =	vst v3;
	v3 =	vadd.s32 $0x12000, v2  }
0x91: {  	[tilespmem:$0x220] =	vst v3;
	v3 =	vadd.s32 $0x13000, v2  }
0x92: {  	[tilespmem:$0x230] =	vst v3;
	v3 =	vadd.s32 $0x14000, v2  }
0x93: {  	[tilespmem:$0x240] =	vst v3;
	v3 =	vadd.s32 $0x15000, v2  }
0x94: {  	[tilespmem:$0x250] =	vst v3;
	v3 =	vadd.s32 $0x16000, v2  }
0x95: {  	[tilespmem:$0x260] =	vst v3;
	v3 =	vadd.s32 $0x17000, v2  }
0x96: {  	[tilespmem:$0x270] =	vst v3;
	v3 =	vadd.s32 $0x18000, v2  }
0x97: {  	[tilespmem:$0x280] =	vst v3;
	v3 =	vadd.s32 $0x19000, v2  }
0x98: {  	[tilespmem:$0x290] =	vst v3;
	v3 =	vadd.s32 $0x1A000, v2  }
0x99: {  	[tilespmem:$0x2A0] =	vst v3;
	v3 =	vadd.s32 $0x1B000, v2  }
0x9a: {  	[tilespmem:$0x2B0] =	vst v3;
	v3 =	vadd.s32 $0x1C000, v2  }
0x9b: {  	[tilespmem:$0x2C0] =	vst v3;
	v3 =	vadd.s32 $0x1D000, v2  }
0x9c: {  	[tilespmem:$0x2D0] =	vst v3;
	v3 =	vadd.s32 $0x1E000, v2  }
0x9d: {  	[tilespmem:$0x2E0] =	vst v3;
	v3 =	vadd.s32 $0x1F000, v2  }
0x9e: {  	[tilespmem:$0x2F0] =	vst v3;
	v3 =	vadd.s32 $0x20000, v2  }
0x9f: {  	[tilespmem:$0x300] =	vst v3;
	v3 =	vadd.s32 $0x21000, v2  }
0xa0: {  	[tilespmem:$0x310] =	vst v3;
	v3 =	vadd.s32 $0x22000, v2  }
0xa1: {  	[tilespmem:$0x320] =	vst v3;
	v3 =	vadd.s32 $0x23000, v2  }
0xa2: {  	[tilespmem:$0x330] =	vst v3;
	v3 =	vadd.s32 $0x24000, v2  }
0xa3: {  	[tilespmem:$0x340] =	vst v3;
	v3 =	vadd.s32 $0x25000, v2  }
0xa4: {  	[tilespmem:$0x350] =	vst v3;
	v3 =	vadd.s32 $0x26000, v2  }
0xa5: {  	[tilespmem:$0x360] =	vst v3;
	v3 =	vadd.s32 $0x27000, v2  }
0xa6: {  	[tilespmem:$0x370] =	vst v3;
	v3 =	vadd.s32 $0x28000, v2  }
0xa7: {  	[tilespmem:$0x380] =	vst v3;
	v3 =	vadd.s32 $0x29000, v2  }
0xa8: {  	[tilespmem:$0x390] =	vst v3;
	v3 =	vadd.s32 $0x2A000, v2  }
0xa9: {  	[tilespmem:$0x3A0] =	vst v3;
	v3 =	vadd.s32 $0x2B000, v2  }
0xaa: {  	[tilespmem:$0x3B0] =	vst v3;
	v3 =	vadd.s32 $0x2C000, v2  }
0xab: {  	[tilespmem:$0x3C0] =	vst v3;
	v3 =	vadd.s32 $0x2D000, v2  }
0xac: {  	[tilespmem:$0x3D0] =	vst v3;
	v3 =	vadd.s32 $0x2E000, v2  }
0xad: {  	[tilespmem:$0x3E0] =	vst v3;
	v3 =	vadd.s32 $0x2F000, v2  }
0xae: {  	[tilespmem:$0x3F0] =	vst v3;
	v3 =	vadd.s32 $0x30000, v2  }
0xaf: {  	[tilespmem:$0x400] =	vst v3;
	v3 =	vadd.s32 $0x31000, v2  }
0xb0: {  	[tilespmem:$0x410] =	vst v3;
	v3 =	vadd.s32 $0x32000, v2  }
0xb1: {  	[tilespmem:$0x420] =	vst v3;
	v3 =	vadd.s32 $0x33000, v2  }
0xb2: {  	[tilespmem:$0x430] =	vst v3;
	v3 =	vadd.s32 $0x34000, v2  }
0xb3: {  	[tilespmem:$0x440] =	vst v3;
	v3 =	vadd.s32 $0x35000, v2  }
0xb4: {  	[tilespmem:$0x450] =	vst v3;
	v3 =	vadd.s32 $0x36000, v2  }
0xb5: {  	[tilespmem:$0x460] =	vst v3;
	v3 =	vadd.s32 $0x37000, v2  }
0xb6: {  	[tilespmem:$0x470] =	vst v3;
	v3 =	vadd.s32 $0x38000, v2  }
0xb7: {  	[tilespmem:$0x480] =	vst v3;
	v3 =	vadd.s32 $0x39000, v2  }
0xb8: {  	[tilespmem:$0x490] =	vst v3;
	v3 =	vadd.s32 $0x3A000, v2  }
0xb9: {  	[tilespmem:$0x4A0] =	vst v3;
	v3 =	vadd.s32 $0x3B000, v2  }
0xba: {  	[tilespmem:$0x4B0] =	vst v3;
	v3 =	vadd.s32 $0x3C000, v2  }
0xbb: {  	[tilespmem:$0x4C0] =	vst v3;
	v3 =	vadd.s32 $0x3D000, v2  }
0xbc: {  	[tilespmem:$0x4D0] =	vst v3;
	v3 =	vadd.s32 $0x3E000, v2  }
0xbd: {  	[tilespmem:$0x4E0] =	vst v3;
	v3 =	vadd.s32 $0x3F000, v2  }
0xbe: {  	[tilespmem:$0x4F0] =	vst v3;
	v3 =	vadd.s32 $0x40000, v2  }
0xbf: {  	[tilespmem:$0x500] =	vst v3;
	v3 =	vadd.s32 $0x41000, v2  }
0xc0: {  	[tilespmem:$0x510] =	vst v3;
	v3 =	vadd.s32 $0x42000, v2  }
0xc1: {  	[tilespmem:$0x520] =	vst v3;
	v3 =	vadd.s32 $0x43000, v2  }
0xc2: {  	[tilespmem:$0x530] =	vst v3;
	v3 =	vadd.s32 $0x44000, v2  }
0xc3: {  	[tilespmem:$0x540] =	vst v3;
	v3 =	vadd.s32 $0x45000, v2  }
0xc4: {  	[tilespmem:$0x550] =	vst v3;
	v3 =	vadd.s32 $0x46000, v2  }
0xc5: {  	[tilespmem:$0x560] =	vst v3;
	v3 =	vadd.s32 $0x47000, v2  }
0xc6: {  	[tilespmem:$0x570] =	vst v3;
	v3 =	vadd.s32 $0x48000, v2  }
0xc7: {  	[tilespmem:$0x580] =	vst v3;
	v3 =	vadd.s32 $0x49000, v2  }
0xc8: {  	v2 =	vadd.s32 $0x4A000, v2;
	[tilespmem:$0x590] =	vst v3  }
0xc9: {  	s29 =	simm.s32 $0x100;
	[tilespmem:$0x5A0] =	vst v2  }
0xca: {  	[tilespmem:s26], [sflag:$0x1] =	stream.indirect.gather [hbm4b:s3+s24], $0x1, s29, s24, $0xb8;
	[tilespmem:$0x1B00] =	vst v63  }
0xcb: {  	s28 =	simm.s32 $0x150;
	s29 =	simm.s32 $0x650  }
0xcc: {  	[tilespmem:s29], [sflag:$0x1] =	stream.indirect.gather [hbm4b:s3+s24], $0x1, s28, s24, $0xb8;
	[tilespmem:$0x1B00] =	vst v63  }
0xcd: {  	s28 =	simm.s32 $0x1A0;
	s29 =	simm.s32 $0x6A0  }
0xce: {  	[tilespmem:s29], [sflag:$0x1] =	stream.indirect.gather [hbm4b:s3+s24], $0x1, s28, s24, $0xb8;
	[tilespmem:$0x1B00] =	vst v63  }
0xcf: {  	s28 =	simm.s32 $0x1F0;
	s29 =	simm.s32 $0x6F0  }
0xd0: {  	[tilespmem:s29], [sflag:$0x1] =	stream.indirect.gather [hbm4b:s3+s24], $0x1, s28, s24, $0xb8;
	[tilespmem:$0x1B00] =	vst v63  }
0xd1: {  	s28 =	simm.s32 $0x240;
	s29 =	simm.s32 $0x740  }
0xd2: {  	[tilespmem:s29], [sflag:$0x1] =	stream.indirect.gather [hbm4b:s3+s24], $0x1, s28, s24, $0xb8;
	[tilespmem:$0x1B00] =	vst v63  }
0xd3: {  	s28 =	simm.s32 $0x290;
	s29 =	simm.s32 $0x790  }
0xd4: {  	[tilespmem:s29], [sflag:$0x1] =	stream.indirect.gather [hbm4b:s3+s24], $0x1, s28, s24, $0xb8;
	[tilespmem:$0x1B00] =	vst v63  }
0xd5: {  	s28 =	simm.s32 $0x2E0;
	s29 =	simm.s32 $0x7E0  }
0xd6: {  	[tilespmem:s29], [sflag:$0x1] =	stream.indirect.gather [hbm4b:s3+s24], $0x1, s28, s24, $0xb8;
	[tilespmem:$0x1B00] =	vst v63  }
0xd7: {  	s28 =	simm.s32 $0x330;
	s29 =	simm.s32 $0x830  }
0xd8: {  	[tilespmem:s29], [sflag:$0x1] =	stream.indirect.gather [hbm4b:s3+s24], $0x1, s28, s24, $0xb8;
	[tilespmem:$0x1B00] =	vst v63  }
0xd9: {  	s28 =	simm.s32 $0x380;
	s29 =	simm.s32 $0x880  }
0xda: {  	[tilespmem:s29], [sflag:$0x1] =	stream.indirect.gather [hbm4b:s3+s24], $0x1, s28, s24, $0xb8;
	[tilespmem:$0x1B00] =	vst v63  }
0xdb: {  	s28 =	simm.s32 $0x3D0;
	s29 =	simm.s32 $0x8D0  }
0xdc: {  	[tilespmem:s29], [sflag:$0x1] =	stream.indirect.gather [hbm4b:s3+s24], $0x1, s28, s24, $0xb8;
	[tilespmem:$0x1B00] =	vst v63  }
0xdd: {  	s28 =	simm.s32 $0x420;
	s29 =	simm.s32 $0x920  }
0xde: {  	[tilespmem:s29], [sflag:$0x1] =	stream.indirect.gather [hbm4b:s3+s24], $0x1, s28, s24, $0xb8;
	[tilespmem:$0x1B00] =	vst v63  }
0xdf: {  	s28 =	simm.s32 $0x470;
	s29 =	simm.s32 $0x970  }
0xe0: {  	[tilespmem:s29], [sflag:$0x1] =	stream.indirect.gather [hbm4b:s3+s24], $0x1, s28, s24, $0xb8;
	[tilespmem:$0x1B00] =	vst v63  }
0xe1: {  	s28 =	simm.s32 $0x4C0;
	s29 =	simm.s32 $0x9C0  }
0xe2: {  	[tilespmem:s29], [sflag:$0x1] =	stream.indirect.gather [hbm4b:s3+s24], $0x1, s28, s24, $0xb8;
	[tilespmem:$0x1B00] =	vst v63  }
0xe3: {  	s28 =	simm.s32 $0x510;
	s29 =	simm.s32 $0xA10  }
0xe4: {  	[tilespmem:s29], [sflag:$0x1] =	stream.indirect.gather [hbm4b:s3+s24], $0x1, s28, s24, $0xb8;
	[tilespmem:$0x1B00] =	vst v63  }
0xe5: {  	_ = 	snop  }
0xe6: {  	[tilespmem:s31], [sflag:$0x1] =	stream.indirect.gather [hbm4b:s3+s24], $0x1, s30, s24, $0xb8;
	[tilespmem:$0x1B00] =	vst v63  }
0xe7: {  	_ = 	snop  }
0xe8: {  	[tilespmem:s0], [sflag:$0x1] =	stream.indirect.gather [hbm4b:s3+s24], $0x1, s1, s24, $0xb8;
	[tilespmem:$0x1B00] =	vst v63  }
0xe9: {  	_ =	swait.ge [sflag:s23], $0x50  }
0xea: {  	[sflag:s23] =	ssyncset.done $0x0  }
0xeb: {  	[sflag:s23] =	ssyncadd.s32 $0xFFFFFFB0  }
0xec: {  	_ =	swait.ge [sflag:s23], $0x50  }
0xed: {  	[sflag:s23] =	ssyncset.done $0x0  }
0xee: {  	[sflag:s23] =	ssyncadd.s32 $0xFFFFFFB0  }
0xef: {  	_ =	swait.ge [sflag:s23], $0x50  }
0xf0: {  	[sflag:s23] =	ssyncset.done $0x0  }
0xf1: {  	[sflag:s23] =	ssyncadd.s32 $0xFFFFFFB0  }
0xf2: {  	_ =	swait.ge [sflag:s23], $0x50  }
0xf3: {  	[sflag:s23] =	ssyncset.done $0x0  }
0xf4: {  	[sflag:s23] =	ssyncadd.s32 $0xFFFFFFB0  }
0xf5: {  	_ =	swait.ge [sflag:s23], $0x50  }
0xf6: {  	[sflag:s23] =	ssyncset.done $0x0  }
0xf7: {  	[sflag:s23] =	ssyncadd.s32 $0xFFFFFFB0  }
0xf8: {  	_ =	swait.ge [sflag:s23], $0x50  }
0xf9: {  	[sflag:s23] =	ssyncset.done $0x0  }
0xfa: {  	[sflag:s23] =	ssyncadd.s32 $0xFFFFFFB0  }
0xfb: {  	_ =	swait.ge [sflag:s23], $0x50  }
0xfc: {  	[sflag:s23] =	ssyncset.done $0x0  }
0xfd: {  	[sflag:s23] =	ssyncadd.s32 $0xFFFFFFB0  }
0xfe: {  	_ =	swait.ge [sflag:s23], $0x50  }
0xff: {  	[sflag:s23] =	ssyncset.done $0x0  }
0x100: {  	[sflag:s23] =	ssyncadd.s32 $0xFFFFFFB0  }
0x101: {  	_ =	swait.ge [sflag:s23], $0x50  }
0x102: {  	[sflag:s23] =	ssyncset.done $0x0  }
0x103: {  	[sflag:s23] =	ssyncadd.s32 $0xFFFFFFB0  }
0x104: {  	_ =	swait.ge [sflag:s23], $0x50  }
0x105: {  	[sflag:s23] =	ssyncset.done $0x0  }
0x106: {  	[sflag:s23] =	ssyncadd.s32 $0xFFFFFFB0  }
0x107: {  	_ =	swait.ge [sflag:s23], $0x50  }
0x108: {  	[sflag:s23] =	ssyncset.done $0x0  }
0x109: {  	[sflag:s23] =	ssyncadd.s32 $0xFFFFFFB0  }
0x10a: {  	_ =	swait.ge [sflag:s23], $0x50  }
0x10b: {  	[sflag:s23] =	ssyncset.done $0x0  }
0x10c: {  	[sflag:s23] =	ssyncadd.s32 $0xFFFFFFB0  }
0x10d: {  	_ =	swait.ge [sflag:s23], $0x50  }
0x10e: {  	[sflag:s23] =	ssyncset.done $0x0  }
0x10f: {  	[sflag:s23] =	ssyncadd.s32 $0xFFFFFFB0  }
0x110: {  	_ =	swait.ge [sflag:s23], $0x50  }
0x111: {  	[sflag:s23] =	ssyncset.done $0x0  }
0x112: {  	[sflag:s23] =	ssyncadd.s32 $0xFFFFFFB0  }
0x113: {  	_ =	swait.ge [sflag:s23], $0x50  }
0x114: {  	[sflag:s23] =	ssyncset.done $0x0  }
0x115: {  	[sflag:s23] =	ssyncadd.s32 $0xFFFFFFB0  }
0x116: {  	_ =	swait.ge [sflag:s23], $0x50  }
0x117: {  	[sflag:s23] =	ssyncset.done $0x0  }
.Ltmp3:
0x118: {  	[sflag:s23] =	ssyncadd.s32 $0xFFFFFFB0;
	(pc) =	sbr.rel .LBB2_4-.Ltmp3, $4  }
0x119: {  	[hbm4b:s20+s2] =	stream.linear.scatter [tilespmem:s26], [sflag:$0x2], $0x500, $0x38;
	[tilespmem:$0x1B00] =	vst v63  }
0x11a: {  	_ =	swait.ge [sflag:s22], $0x500  }
0x11b: {  	[sflag:s22] =	ssyncset.done $0x0  }
0x11c: {  	[sflag:s22] =	ssyncadd.s32 $0xFFFFFB00  }
.LBB2_5:
0x11d: {  	_ =	sfence.sel $0x180000  }
0x11e: {  	[bflag:$0x0] =	sbarrier.arrive $0xFFFF  }
0x11f: {  	_ =	strace $0x90000047  }
0x120: {  	s0 =	stileid.u32;
	[bflag:$0x2] =	sbarrier.arrive $0xFFFF  }
0x121: {  	p0 =	sne.s32 s0, $0x0;
	s0 =	rddreg [dreg:$0x1]  }
0x122: {  	s0 =	sadd.s32 @!p0 $0x100000, s0  }
0x123: {  	[sflag:s0] =	ssyncadd.tile.s32 @!p0 $0x1;
	_ =	shalt  }
.Lfunc_end2:
_tile_overlayer_lowered:
.L_overlay_start_2:
0x124: {  	(tag) =	ssettag $0x2  }
0x125: {  	s0 =	rddreg [dreg:$0x0];
	s2 =	stileid.u32  }
0x126: {  	s1 =	rddreg [dreg:$0x1];
	p0 =	sne.s32 s2, $0x0  }
0x127: {  	s3 =	rddreg [dreg:$0x2];
	[bflag:$0x3] =	sbarrier.arrive $0xFFFF;
	s2 =	simm.s32 @!p0 $0x1C02  }
0x128: {  	[timem:s3], [sflag:s2] =	dma.local @!p0 [hbm:s0], s1  }
0x129: {  	s0 =	simm.s32 @!p0 $0x2  }
0x12a: {  	_ =	swait.ge @!p0 [sflag:s0], s1  }
0x12b: {  	s1 =	ssub.s32 @!p0 $0x0, s1;
	[sflag:s0] =	ssyncset.done @!p0 $0x0  }
0x12c: {  	[sflag:s0] =	ssyncadd.s32 @!p0 s1  }
0x12d: {  	[bflag:$0x3] =	sbarrier.arrive $0xFFFF  }
0x12e: {  	_ =	shalt  }

</sc_bundles>
